<compile_context>
chip_gen: v7x
topology: tpu7x:2x2x1
jax: 0.10.2.dev20260603
libtpu: 0.0.44.dev20260713+nightly
codegen_flags: <defaults>
</compile_context>

<pallas_src>
import functools

import jax
import jax.numpy as jnp
from jax import lax
from jax.experimental import pallas as pl
from jax.experimental.pallas import tpu as pltpu
from jax.experimental.pallas import tpu_sc as plsc

_NCG = 4


def _tc_body(up_pts_ref, up_feat_ref, down_ptsT_ref, down_feat_ref,
             w_up_ref, b_up_ref, w_down_ref, b_down_ref,
             baseT_ref, idx_ref, w_ref, downfT_ref):
    n = down_ptsT_ref.shape[1]
    bm = up_pts_ref.shape[0]

    @pl.when(pl.program_id(0) == 0)
    def _():
        downfT_ref[...] = (
            lax.dot_general(w_down_ref[...], down_feat_ref[...],
                            (((0,), (1,)), ((), ())),
                            preferred_element_type=jnp.float32)
            + b_down_ref[...]
        )

    dist = jnp.zeros((bm, n), dtype=jnp.float32)
    for c in range(3):
        u = up_pts_ref[:, c:c + 1]
        d = down_ptsT_ref[c:c + 1, :]
        diff = u - d
        dist = diff * diff + dist

    colf = lax.broadcasted_iota(jnp.int32, (bm, n), 1).astype(jnp.float32)
    nf = jnp.float32(n)
    big = jnp.float32(jnp.inf)

    iks = []
    vals = []
    d_work = dist
    for k in range(3):
        mk = jnp.min(d_work, axis=1, keepdims=True)
        sel = d_work == mk
        ik = jnp.min(jnp.where(sel, colf, nf), axis=1, keepdims=True)
        iks.append(ik)
        vals.append(mk)
        if k < 2:
            d_work = jnp.where(sel, big, d_work)

    r = [1.0 / (v + 1e-8) for v in vals]
    denom = r[0] + r[1] + r[2]
    w = [ri / denom for ri in r]

    idx_ref[...] = jnp.concatenate(iks, axis=1).astype(jnp.int32)
    w_ref[...] = jnp.concatenate(w, axis=1)
    baseT_ref[...] = (
        lax.dot_general(w_up_ref[...], up_feat_ref[...],
                        (((0,), (1,)), ((), ())),
                        preferred_element_type=jnp.float32)
        + b_up_ref[...]
    )


def _tc_stage(up_points, up_features, down_ptsT, down_features,
              W_up, b_up_col, W_down, b_down_col, bm):
    m = up_points.shape[0]
    n = down_ptsT.shape[1]
    up_c = up_features.shape[1]
    down_c = down_features.shape[1]
    out_c = W_up.shape[1]
    grid = (m // bm,)
    return pl.pallas_call(
        _tc_body,
        grid=grid,
        in_specs=[
            pl.BlockSpec((bm, 3), lambda i: (i, 0)),
            pl.BlockSpec((bm, up_c), lambda i: (i, 0)),
            pl.BlockSpec((3, n), lambda i: (0, 0)),
            pl.BlockSpec((n, down_c), lambda i: (0, 0)),
            pl.BlockSpec((up_c, out_c), lambda i: (0, 0)),
            pl.BlockSpec((out_c, 1), lambda i: (0, 0)),
            pl.BlockSpec((down_c, out_c), lambda i: (0, 0)),
            pl.BlockSpec((out_c, 1), lambda i: (0, 0)),
        ],
        out_specs=[
            pl.BlockSpec((out_c, bm), lambda i: (0, i)),
            pl.BlockSpec((bm, 3), lambda i: (i, 0)),
            pl.BlockSpec((bm, 3), lambda i: (i, 0)),
            pl.BlockSpec((out_c, n), lambda i: (0, 0)),
        ],
        out_shape=[
            jax.ShapeDtypeStruct((out_c, m), jnp.float32),
            jax.ShapeDtypeStruct((m, 3), jnp.int32),
            jax.ShapeDtypeStruct((m, 3), jnp.float32),
            jax.ShapeDtypeStruct((out_c, n), jnp.float32),
        ],
    )(up_points, up_features, down_ptsT, down_features,
      W_up, b_up_col, W_down, b_down_col)


def _sc_interp(idx_flat, w_flat, baseT, downfT):
    out_c, m = baseT.shape
    n = downfT.shape[1]
    cw = out_c // _NCG
    nmc = 32 // _NCG
    mc = m // nmc

    mesh = plsc.VectorSubcoreMesh(core_axis_name="c", subcore_axis_name="s")

    @functools.partial(
        pl.kernel, mesh=mesh,
        compiler_params=pltpu.CompilerParams(needs_layout_passes=False),
        out_type=jax.ShapeDtypeStruct((out_c, m), jnp.float32),
        scratch_types=[
            pltpu.VMEM((mc * 3,), jnp.int32),
            pltpu.VMEM((mc * 3,), jnp.float32),
            pltpu.VMEM((cw, n), jnp.float32),
            pltpu.VMEM((cw, mc), jnp.float32),
        ],
    )
    def sc_k(idx_hbm, w_hbm, baseT_hbm, downfT_hbm, outT_hbm,
             idx_v, w_v, table_v, acc_v):
        wid = lax.axis_index("s") * 2 + lax.axis_index("c")
        mchunk = wid // _NCG
        cg = wid % _NCG
        pbase = pl.multiple_of(mchunk * mc, 128)
        cbase = pl.multiple_of(cg * cw, 8)

        pltpu.sync_copy(idx_hbm.at[pl.ds(pbase * 3, mc * 3)], idx_v)
        pltpu.sync_copy(w_hbm.at[pl.ds(pbase * 3, mc * 3)], w_v)
        pltpu.sync_copy(downfT_hbm.at[pl.ds(cbase, cw), :], table_v)
        pltpu.sync_copy(baseT_hbm.at[pl.ds(cbase, cw), pl.ds(pbase, mc)],
                        acc_v)

        def body(g, carry):
            lane = lax.broadcasted_iota(jnp.int32, (16,), 0)
            rowv = g * 16 + lane
            rows3 = rowv * 3
            ivs = []
            wvs = []
            for k in range(3):
                ivs.append(plsc.load_gather(idx_v, [rows3 + k]))
                wvs.append(plsc.load_gather(w_v, [rows3 + k]))
            for c in range(cw):
                cc = jnp.full((16,), c, jnp.int32)
                f0 = plsc.load_gather(table_v, [cc, ivs[0]])
                f1 = plsc.load_gather(table_v, [cc, ivs[1]])
                f2 = plsc.load_gather(table_v, [cc, ivs[2]])
                contrib = wvs[0] * f0 + wvs[1] * f1 + wvs[2] * f2
                plsc.addupdate_scatter(acc_v, [cc, rowv], contrib)
            return carry

        lax.fori_loop(0, mc // 16, body, 0)

        pltpu.sync_copy(acc_v,
                        outT_hbm.at[pl.ds(cbase, cw), pl.ds(pbase, mc)])

    return sc_k(idx_flat, w_flat, baseT, downfT)


def kernel(up_points, up_features, down_points, down_features,
           W_up, b_up, W_down, b_down):
    m = up_points.shape[0]
    out_c = W_up.shape[1]
    down_ptsT = down_points.T
    b_up_col = b_up.reshape(out_c, 1)
    b_down_col = b_down.reshape(out_c, 1)
    baseT, idx, w, downfT = _tc_stage(
        up_points, up_features, down_ptsT, down_features,
        W_up, b_up_col, W_down, b_down_col, bm=2048)
    outT = _sc_interp(idx.reshape(m * 3), w.reshape(m * 3), baseT, downfT)
    return outT.T

# --- scband reference (transcript-rebuilt; emitter-appended) ---
"""Pipeline reference for scband-transition-up-40613210751457 (READ-ONLY COPY).

The authoritative reference and input builder live on the scoring server;
editing this copy changes nothing except your own understanding.
"""

import jax, jax.numpy as jnp
import numpy as np

M = 8192
N = 2048
UP_C = 128
DOWN_C = 256
OUT_C = 128
K = 3


def setup_inputs(seed: int = 0) -> dict:
    key = jax.random.key(seed)
    k1, k2, k3, k4, k5, k6, k7, k8 = jax.random.split(key, 8)
    up_points = jax.random.uniform(k1, (M, 3), dtype=jnp.float32)
    up_features = jax.random.normal(k2, (M, UP_C), dtype=jnp.float32)
    down_points = jax.random.uniform(k3, (N, 3), dtype=jnp.float32)
    down_features = jax.random.normal(k4, (N, DOWN_C), dtype=jnp.float32)
    W_up = jax.random.normal(k5, (UP_C, OUT_C), dtype=jnp.float32) / np.sqrt(UP_C)
    b_up = jax.random.normal(k6, (OUT_C,), dtype=jnp.float32) * 0.01
    W_down = jax.random.normal(k7, (DOWN_C, OUT_C), dtype=jnp.float32) / np.sqrt(DOWN_C)
    b_down = jax.random.normal(k8, (OUT_C,), dtype=jnp.float32) * 0.01
    return {
        "up_points": up_points,
        "up_features": up_features,
        "down_points": down_points,
        "down_features": down_features,
        "W_up": W_up,
        "b_up": b_up,
        "W_down": W_down,
        "b_down": b_down,
    }


def reference(up_points, up_features, down_points, down_features, W_up, b_up, W_down, b_down):
    # linear_down
    down_f = down_features @ W_down + b_down  # [N, OUT_C]
    # find_knn_general: pairwise squared distances + smallest-k
    delta = up_points[:, None, :] - down_points[None, :, :]  # [M, N, 3]
    dist = jnp.sum(delta ** 2, axis=-1)  # [M, N]
    neg_knn_dist, knn_indices = jax.lax.top_k(-dist, K)
    knn_dist = -neg_knn_dist  # [M, K], smallest distances
    # interpolate_knn: inverse-distance weighted feature gather
    knn_feats = down_f[knn_indices.reshape(-1)].reshape(M, K, OUT_C)
    knn_dist_recip = 1.0 / (knn_dist + 1e-08)
    denom = knn_dist_recip.sum(axis=-1, keepdims=True)
    weights = knn_dist_recip / denom
    interp_f = (weights[:, :, None] * knn_feats).sum(axis=1)  # [M, OUT_C]
    # linear_up + residual combine
    out_f = interp_f + (up_features @ W_up + b_up)
    return out_f

if __name__ == "__main__":
    import jax
    _d = setup_inputs()
    print(jax.jit(kernel)(*tuple(_d.values())))

</pallas_src>

<mosaic_0001>
#map = affine_map<(d0, d1) -> (0)>
#map1 = affine_map<(d0, d1) -> (0, 0)>
module attributes {stable_mosaic.version = 14 : i64} {
  func.func @sc_k(%arg0: i32, %arg1: i32, %arg2: memref<24576xi32, #tpu.memory_space<hbm>>, %arg3: memref<24576xf32, #tpu.memory_space<hbm>>, %arg4: memref<128x8192xf32, #tpu.memory_space<hbm>>, %arg5: memref<128x2048xf32, #tpu.memory_space<hbm>>, %arg6: memref<128x8192xf32, #tpu.memory_space<hbm>>, %arg7: memref<3072xi32, #tpu.memory_space<vmem>>, %arg8: memref<3072xf32, #tpu.memory_space<vmem>>, %arg9: memref<32x2048xf32, #tpu.memory_space<vmem>>, %arg10: memref<32x1024xf32, #tpu.memory_space<vmem>>) attributes {dimension_semantics = [#tpu.dimension_semantics<core_parallel>, #tpu.dimension_semantics<subcore_parallel>], iteration_bounds = array<i64: 2, 16>, scalar_prefetch = 0 : i64, scratch_operands = 4 : i64, tpu.core_type = #tpu.core_type<sc_vector_subcore>, window_params = [{transform_indices = #map}, {transform_indices = #map}, {transform_indices = #map1}, {transform_indices = #map1}, {transform_indices = #map1}]} {
    %mul3A = arith.constant 2 : i32
    %mul3A_0 = arith.muli %arg1, %mul3A : i32
    %add3A = arith.addi %mul3A_0, %arg0 : i32
    %jit3A = arith.constant 4 : i32
    %div3A = arith.divsi %add3A, %jit3A : i32
    %sign3A = arith.constant 0 : i32
    %sign3A_1 = arith.cmpi sgt, %add3A, %sign3A : i32
    %sign3A_2 = arith.extui %sign3A_1 : i1 to i32
    %sign3A_3 = arith.constant 0 : i32
    %sign3A_4 = arith.cmpi slt, %add3A, %sign3A_3 : i32
    %sign3A_5 = arith.extui %sign3A_4 : i1 to i32
    %sign3A_6 = arith.subi %sign3A_2, %sign3A_5 : i32
    %sign3A_7 = arith.constant 0 : i32
    %sign3A_8 = arith.cmpi sgt, %jit3A, %sign3A_7 : i32
    %sign3A_9 = arith.extui %sign3A_8 : i1 to i32
    %sign3A_10 = arith.constant 0 : i32
    %sign3A_11 = arith.cmpi slt, %jit3A, %sign3A_10 : i32
    %sign3A_12 = arith.extui %sign3A_11 : i1 to i32
    %sign3A_13 = arith.subi %sign3A_9, %sign3A_12 : i32
    %ne3A = arith.cmpi ne, %sign3A_6, %sign3A_13 : i32
    %rem3A = arith.remsi %add3A, %jit3A : i32
    %ne3A_14 = arith.constant 0 : i32
    %ne3A_15 = arith.cmpi ne, %rem3A, %ne3A_14 : i32
    %and3A = arith.andi %ne3A, %ne3A_15 : i1
    %sub3A = arith.constant 1 : i32
    %sub3A_16 = arith.subi %div3A, %sub3A : i32
    %select_n3A = arith.select %and3A, %sub3A_16, %div3A : i32
    %jit3A_17 = arith.constant 4 : i32
    %eq3A = arith.constant 0 : i32
    %eq3A_18 = arith.cmpi eq, %jit3A_17, %eq3A : i32
    %jit3A_19 = arith.constant 1 : i32
    %select_n3A_20 = arith.select %eq3A_18, %jit3A_19, %jit3A_17 : i32
    %rem3A_21 = arith.remsi %add3A, %select_n3A_20 : i32
    %ne3A_22 = arith.constant 0 : i32
    %ne3A_23 = arith.cmpi ne, %rem3A_21, %ne3A_22 : i32
    %lt3A = arith.constant 0 : i32
    %lt3A_24 = arith.cmpi slt, %rem3A_21, %lt3A : i32
    %lt3A_25 = arith.constant 0 : i32
    %lt3A_26 = arith.cmpi slt, %select_n3A_20, %lt3A_25 : i32
    %ne3A_27 = arith.xori %lt3A_24, %lt3A_26 : i1
    %and3A_28 = arith.andi %ne3A_27, %ne3A_23 : i1
    %add3A_29 = arith.addi %rem3A_21, %select_n3A_20 : i32
    %select_n3A_30 = arith.select %and3A_28, %add3A_29, %rem3A_21 : i32
    %mul3A_31 = arith.constant 1024 : i32
    %mul3A_32 = arith.muli %select_n3A, %mul3A_31 : i32
    %multiple_of3A = tpu.assume_multiple %mul3A_32, 128 : i32
    %mul3A_33 = arith.constant 32 : i32
    %mul3A_34 = arith.muli %select_n3A_30, %mul3A_33 : i32
    %multiple_of3A_35 = tpu.assume_multiple %mul3A_34, 8 : i32
    %mul3A_36 = arith.constant 3 : i32
    %mul3A_37 = arith.muli %multiple_of3A, %mul3A_36 : i32
    "tpu.region"() ({
      %run_scoped3A = tpu.sem_alloc : memref<!tpu.dma_semaphore, #tpu.memory_space<semaphore_mem>>
      %dma_start3A = tpu.memref_slice %arg2[%mul3A_37] : memref<24576xi32, #tpu.memory_space<hbm>> -> memref<3072xi32, #tpu.memory_space<hbm>>
      %dma_start3A_45 = tpu.memref_slice %arg2[%mul3A_37] : memref<24576xi32, #tpu.memory_space<hbm>> -> memref<3072xi32, #tpu.memory_space<hbm>>
      tpu.enqueue_dma source(%dma_start3A_45 : memref<3072xi32, #tpu.memory_space<hbm>>) target(%arg7 : memref<3072xi32, #tpu.memory_space<vmem>>) target_semaphore(%run_scoped3A : memref<!tpu.dma_semaphore, #tpu.memory_space<semaphore_mem>>)
      %dma_wait3A = tpu.memref_slice %arg2[%mul3A_37] : memref<24576xi32, #tpu.memory_space<hbm>> -> memref<3072xi32, #tpu.memory_space<hbm>>
      %dma_wait3A_46 = tpu.memref_slice %arg2[%mul3A_37] : memref<24576xi32, #tpu.memory_space<hbm>> -> memref<3072xi32, #tpu.memory_space<hbm>>
      tpu.wait_dma2 semaphore(%run_scoped3A : memref<!tpu.dma_semaphore, #tpu.memory_space<semaphore_mem>>) src(%dma_wait3A_46 : memref<3072xi32, #tpu.memory_space<hbm>>) dst(%arg7 : memref<3072xi32, #tpu.memory_space<vmem>>)
      tpu.yield
    }) : () -> ()
    %mul3A_38 = arith.constant 3 : i32
    %mul3A_39 = arith.muli %multiple_of3A, %mul3A_38 : i32
    "tpu.region"() ({
      %run_scoped3A = tpu.sem_alloc : memref<!tpu.dma_semaphore, #tpu.memory_space<semaphore_mem>>
      %dma_start3A = tpu.memref_slice %arg3[%mul3A_39] : memref<24576xf32, #tpu.memory_space<hbm>> -> memref<3072xf32, #tpu.memory_space<hbm>>
      %dma_start3A_45 = tpu.memref_slice %arg3[%mul3A_39] : memref<24576xf32, #tpu.memory_space<hbm>> -> memref<3072xf32, #tpu.memory_space<hbm>>
      tpu.enqueue_dma source(%dma_start3A_45 : memref<3072xf32, #tpu.memory_space<hbm>>) target(%arg8 : memref<3072xf32, #tpu.memory_space<vmem>>) target_semaphore(%run_scoped3A : memref<!tpu.dma_semaphore, #tpu.memory_space<semaphore_mem>>)
      %dma_wait3A = tpu.memref_slice %arg3[%mul3A_39] : memref<24576xf32, #tpu.memory_space<hbm>> -> memref<3072xf32, #tpu.memory_space<hbm>>
      %dma_wait3A_46 = tpu.memref_slice %arg3[%mul3A_39] : memref<24576xf32, #tpu.memory_space<hbm>> -> memref<3072xf32, #tpu.memory_space<hbm>>
      tpu.wait_dma2 semaphore(%run_scoped3A : memref<!tpu.dma_semaphore, #tpu.memory_space<semaphore_mem>>) src(%dma_wait3A_46 : memref<3072xf32, #tpu.memory_space<hbm>>) dst(%arg8 : memref<3072xf32, #tpu.memory_space<vmem>>)
      tpu.yield
    }) : () -> ()
    "tpu.region"() ({
      %run_scoped3A = tpu.sem_alloc : memref<!tpu.dma_semaphore, #tpu.memory_space<semaphore_mem>>
      %dma_start3A = arith.constant 0 : i32
      %dma_start3A_45 = tpu.memref_slice %arg5[%multiple_of3A_35, %dma_start3A] : memref<128x2048xf32, #tpu.memory_space<hbm>> -> memref<32x2048xf32, #tpu.memory_space<hbm>>
      %dma_start3A_46 = arith.constant 0 : i32
      %dma_start3A_47 = tpu.memref_slice %arg5[%multiple_of3A_35, %dma_start3A_46] : memref<128x2048xf32, #tpu.memory_space<hbm>> -> memref<32x2048xf32, #tpu.memory_space<hbm>>
      tpu.enqueue_dma source(%dma_start3A_47 : memref<32x2048xf32, #tpu.memory_space<hbm>>) target(%arg9 : memref<32x2048xf32, #tpu.memory_space<vmem>>) target_semaphore(%run_scoped3A : memref<!tpu.dma_semaphore, #tpu.memory_space<semaphore_mem>>)
      %dma_wait3A = arith.constant 0 : i32
      %dma_wait3A_48 = tpu.memref_slice %arg5[%multiple_of3A_35, %dma_wait3A] : memref<128x2048xf32, #tpu.memory_space<hbm>> -> memref<32x2048xf32, #tpu.memory_space<hbm>>
      %dma_wait3A_49 = arith.constant 0 : i32
      %dma_wait3A_50 = tpu.memref_slice %arg5[%multiple_of3A_35, %dma_wait3A_49] : memref<128x2048xf32, #tpu.memory_space<hbm>> -> memref<32x2048xf32, #tpu.memory_space<hbm>>
      tpu.wait_dma2 semaphore(%run_scoped3A : memref<!tpu.dma_semaphore, #tpu.memory_space<semaphore_mem>>) src(%dma_wait3A_50 : memref<32x2048xf32, #tpu.memory_space<hbm>>) dst(%arg9 : memref<32x2048xf32, #tpu.memory_space<vmem>>)
      tpu.yield
    }) : () -> ()
    "tpu.region"() ({
      %run_scoped3A = tpu.sem_alloc : memref<!tpu.dma_semaphore, #tpu.memory_space<semaphore_mem>>
      %dma_start3A = tpu.memref_slice %arg4[%multiple_of3A_35, %multiple_of3A] : memref<128x8192xf32, #tpu.memory_space<hbm>> -> memref<32x1024xf32, #tpu.memory_space<hbm>>
      %dma_start3A_45 = tpu.memref_slice %arg4[%multiple_of3A_35, %multiple_of3A] : memref<128x8192xf32, #tpu.memory_space<hbm>> -> memref<32x1024xf32, #tpu.memory_space<hbm>>
      tpu.enqueue_dma source(%dma_start3A_45 : memref<32x1024xf32, #tpu.memory_space<hbm>>) target(%arg10 : memref<32x1024xf32, #tpu.memory_space<vmem>>) target_semaphore(%run_scoped3A : memref<!tpu.dma_semaphore, #tpu.memory_space<semaphore_mem>>)
      %dma_wait3A = tpu.memref_slice %arg4[%multiple_of3A_35, %multiple_of3A] : memref<128x8192xf32, #tpu.memory_space<hbm>> -> memref<32x1024xf32, #tpu.memory_space<hbm>>
      %dma_wait3A_46 = tpu.memref_slice %arg4[%multiple_of3A_35, %multiple_of3A] : memref<128x8192xf32, #tpu.memory_space<hbm>> -> memref<32x1024xf32, #tpu.memory_space<hbm>>
      tpu.wait_dma2 semaphore(%run_scoped3A : memref<!tpu.dma_semaphore, #tpu.memory_space<semaphore_mem>>) src(%dma_wait3A_46 : memref<32x1024xf32, #tpu.memory_space<hbm>>) dst(%arg10 : memref<32x1024xf32, #tpu.memory_space<vmem>>)
      tpu.yield
    }) : () -> ()
    %scan3A = arith.constant 0 : i32
    %scan3A_40 = arith.constant 0 : i32
    %scan3A_41 = arith.constant 64 : i32
    %scan3A_42 = arith.addi %scan3A_40, %scan3A_41 : i32
    %scan3A_43 = arith.constant 1 : i32
    scf.for %scan3A_45 = %scan3A_40 to %scan3A_42 step %scan3A_43  : i32 {
      %iota3A = tpu.iota {dimensions = array<i32: 0>} : vector<16xi32>
      %mul3A_46 = arith.constant 16 : i32
      %mul3A_47 = arith.muli %scan3A_45, %mul3A_46 : i32
      %add3A_48 = vector.broadcast %mul3A_47 : i32 to vector<16xi32>
      %add3A_49 = arith.addi %add3A_48, %iota3A : vector<16xi32>
      %mul3A_50 = arith.constant 3 : i32
      %mul3A_51 = vector.broadcast %mul3A_50 : i32 to vector<16xi32>
      %mul3A_52 = arith.muli %add3A_49, %mul3A_51 : vector<16xi32>
      %add3A_53 = arith.constant 0 : i32
      %add3A_54 = vector.broadcast %add3A_53 : i32 to vector<16xi32>
      %add3A_55 = arith.addi %mul3A_52, %add3A_54 : vector<16xi32>
      %gather3A = tpu.vector_load_idx %arg7[%add3A_55] : memref<3072xi32, #tpu.memory_space<vmem>>[vector<16xi32>], vector<16xi32>,
      %add3A_56 = arith.constant 0 : i32
      %add3A_57 = vector.broadcast %add3A_56 : i32 to vector<16xi32>
      %add3A_58 = arith.addi %mul3A_52, %add3A_57 : vector<16xi32>
      %gather3A_59 = tpu.vector_load_idx %arg8[%add3A_58] : memref<3072xf32, #tpu.memory_space<vmem>>[vector<16xi32>], vector<16xf32>,
      %add3A_60 = arith.constant 1 : i32
      %add3A_61 = vector.broadcast %add3A_60 : i32 to vector<16xi32>
      %add3A_62 = arith.addi %mul3A_52, %add3A_61 : vector<16xi32>
      %gather3A_63 = tpu.vector_load_idx %arg7[%add3A_62] : memref<3072xi32, #tpu.memory_space<vmem>>[vector<16xi32>], vector<16xi32>,
      %add3A_64 = arith.constant 1 : i32
      %add3A_65 = vector.broadcast %add3A_64 : i32 to vector<16xi32>
      %add3A_66 = arith.addi %mul3A_52, %add3A_65 : vector<16xi32>
      %gather3A_67 = tpu.vector_load_idx %arg8[%add3A_66] : memref<3072xf32, #tpu.memory_space<vmem>>[vector<16xi32>], vector<16xf32>,
      %add3A_68 = arith.constant 2 : i32
      %add3A_69 = vector.broadcast %add3A_68 : i32 to vector<16xi32>
      %add3A_70 = arith.addi %mul3A_52, %add3A_69 : vector<16xi32>
      %gather3A_71 = tpu.vector_load_idx %arg7[%add3A_70] : memref<3072xi32, #tpu.memory_space<vmem>>[vector<16xi32>], vector<16xi32>,
      %add3A_72 = arith.constant 2 : i32
      %add3A_73 = vector.broadcast %add3A_72 : i32 to vector<16xi32>
      %add3A_74 = arith.addi %mul3A_52, %add3A_73 : vector<16xi32>
      %gather3A_75 = tpu.vector_load_idx %arg8[%add3A_74] : memref<3072xf32, #tpu.memory_space<vmem>>[vector<16xi32>], vector<16xf32>,
      %broadcast_in_dim3A = arith.constant 0 : i32
      %broadcast_in_dim3A_76 = vector.broadcast %broadcast_in_dim3A : i32 to vector<16xi32>
      %gather3A_77 = tpu.vector_load_idx %arg9[%broadcast_in_dim3A_76, %gather3A] : memref<32x2048xf32, #tpu.memory_space<vmem>>[vector<16xi32>, vector<16xi32>], vector<16xf32>,
      %gather3A_78 = tpu.vector_load_idx %arg9[%broadcast_in_dim3A_76, %gather3A_63] : memref<32x2048xf32, #tpu.memory_space<vmem>>[vector<16xi32>, vector<16xi32>], vector<16xf32>,
      %gather3A_79 = tpu.vector_load_idx %arg9[%broadcast_in_dim3A_76, %gather3A_71] : memref<32x2048xf32, #tpu.memory_space<vmem>>[vector<16xi32>, vector<16xi32>], vector<16xf32>,
      %mul3A_80 = arith.mulf %gather3A_59, %gather3A_77 : vector<16xf32>
      %mul3A_81 = arith.mulf %gather3A_67, %gather3A_78 : vector<16xf32>
      %add3A_82 = arith.addf %mul3A_80, %mul3A_81 : vector<16xf32>
      %mul3A_83 = arith.mulf %gather3A_75, %gather3A_79 : vector<16xf32>
      %add3A_84 = arith.addf %add3A_82, %mul3A_83 : vector<16xf32>
      tpu.vector_store_idx %arg10[%broadcast_in_dim3A_76, %add3A_49], %add3A_84 {add = true} : memref<32x1024xf32, #tpu.memory_space<vmem>>[vector<16xi32>, vector<16xi32>], vector<16xf32>,
      %broadcast_in_dim3A_85 = arith.constant 1 : i32
      %broadcast_in_dim3A_86 = vector.broadcast %broadcast_in_dim3A_85 : i32 to vector<16xi32>
      %gather3A_87 = tpu.vector_load_idx %arg9[%broadcast_in_dim3A_86, %gather3A] : memref<32x2048xf32, #tpu.memory_space<vmem>>[vector<16xi32>, vector<16xi32>], vector<16xf32>,
      %gather3A_88 = tpu.vector_load_idx %arg9[%broadcast_in_dim3A_86, %gather3A_63] : memref<32x2048xf32, #tpu.memory_space<vmem>>[vector<16xi32>, vector<16xi32>], vector<16xf32>,
      %gather3A_89 = tpu.vector_load_idx %arg9[%broadcast_in_dim3A_86, %gather3A_71] : memref<32x2048xf32, #tpu.memory_space<vmem>>[vector<16xi32>, vector<16xi32>], vector<16xf32>,
      %mul3A_90 = arith.mulf %gather3A_59, %gather3A_87 : vector<16xf32>
      %mul3A_91 = arith.mulf %gather3A_67, %gather3A_88 : vector<16xf32>
      %add3A_92 = arith.addf %mul3A_90, %mul3A_91 : vector<16xf32>
      %mul3A_93 = arith.mulf %gather3A_75, %gather3A_89 : vector<16xf32>
      %add3A_94 = arith.addf %add3A_92, %mul3A_93 : vector<16xf32>
      tpu.vector_store_idx %arg10[%broadcast_in_dim3A_86, %add3A_49], %add3A_94 {add = true} : memref<32x1024xf32, #tpu.memory_space<vmem>>[vector<16xi32>, vector<16xi32>], vector<16xf32>,
      %broadcast_in_dim3A_95 = arith.constant 2 : i32
      %broadcast_in_dim3A_96 = vector.broadcast %broadcast_in_dim3A_95 : i32 to vector<16xi32>
      %gather3A_97 = tpu.vector_load_idx %arg9[%broadcast_in_dim3A_96, %gather3A] : memref<32x2048xf32, #tpu.memory_space<vmem>>[vector<16xi32>, vector<16xi32>], vector<16xf32>,
      %gather3A_98 = tpu.vector_load_idx %arg9[%broadcast_in_dim3A_96, %gather3A_63] : memref<32x2048xf32, #tpu.memory_space<vmem>>[vector<16xi32>, vector<16xi32>], vector<16xf32>,
      %gather3A_99 = tpu.vector_load_idx %arg9[%broadcast_in_dim3A_96, %gather3A_71] : memref<32x2048xf32, #tpu.memory_space<vmem>>[vector<16xi32>, vector<16xi32>], vector<16xf32>,
      %mul3A_100 = arith.mulf %gather3A_59, %gather3A_97 : vector<16xf32>
      %mul3A_101 = arith.mulf %gather3A_67, %gather3A_98 : vector<16xf32>
      %add3A_102 = arith.addf %mul3A_100, %mul3A_101 : vector<16xf32>
      %mul3A_103 = arith.mulf %gather3A_75, %gather3A_99 : vector<16xf32>
      %add3A_104 = arith.addf %add3A_102, %mul3A_103 : vector<16xf32>
      tpu.vector_store_idx %arg10[%broadcast_in_dim3A_96, %add3A_49], %add3A_104 {add = true} : memref<32x1024xf32, #tpu.memory_space<vmem>>[vector<16xi32>, vector<16xi32>], vector<16xf32>,
      %broadcast_in_dim3A_105 = arith.constant 3 : i32
      %broadcast_in_dim3A_106 = vector.broadcast %broadcast_in_dim3A_105 : i32 to vector<16xi32>
      %gather3A_107 = tpu.vector_load_idx %arg9[%broadcast_in_dim3A_106, %gather3A] : memref<32x2048xf32, #tpu.memory_space<vmem>>[vector<16xi32>, vector<16xi32>], vector<16xf32>,
      %gather3A_108 = tpu.vector_load_idx %arg9[%broadcast_in_dim3A_106, %gather3A_63] : memref<32x2048xf32, #tpu.memory_space<vmem>>[vector<16xi32>, vector<16xi32>], vector<16xf32>,
      %gather3A_109 = tpu.vector_load_idx %arg9[%broadcast_in_dim3A_106, %gather3A_71] : memref<32x2048xf32, #tpu.memory_space<vmem>>[vector<16xi32>, vector<16xi32>], vector<16xf32>,
      %mul3A_110 = arith.mulf %gather3A_59, %gather3A_107 : vector<16xf32>
      %mul3A_111 = arith.mulf %gather3A_67, %gather3A_108 : vector<16xf32>
      %add3A_112 = arith.addf %mul3A_110, %mul3A_111 : vector<16xf32>
      %mul3A_113 = arith.mulf %gather3A_75, %gather3A_109 : vector<16xf32>
      %add3A_114 = arith.addf %add3A_112, %mul3A_113 : vector<16xf32>
      tpu.vector_store_idx %arg10[%broadcast_in_dim3A_106, %add3A_49], %add3A_114 {add = true} : memref<32x1024xf32, #tpu.memory_space<vmem>>[vector<16xi32>, vector<16xi32>], vector<16xf32>,
      %broadcast_in_dim3A_115 = arith.constant 4 : i32
      %broadcast_in_dim3A_116 = vector.broadcast %broadcast_in_dim3A_115 : i32 to vector<16xi32>
      %gather3A_117 = tpu.vector_load_idx %arg9[%broadcast_in_dim3A_116, %gather3A] : memref<32x2048xf32, #tpu.memory_space<vmem>>[vector<16xi32>, vector<16xi32>], vector<16xf32>,
      %gather3A_118 = tpu.vector_load_idx %arg9[%broadcast_in_dim3A_116, %gather3A_63] : memref<32x2048xf32, #tpu.memory_space<vmem>>[vector<16xi32>, vector<16xi32>], vector<16xf32>,
      %gather3A_119 = tpu.vector_load_idx %arg9[%broadcast_in_dim3A_116, %gather3A_71] : memref<32x2048xf32, #tpu.memory_space<vmem>>[vector<16xi32>, vector<16xi32>], vector<16xf32>,
      %mul3A_120 = arith.mulf %gather3A_59, %gather3A_117 : vector<16xf32>
      %mul3A_121 = arith.mulf %gather3A_67, %gather3A_118 : vector<16xf32>
      %add3A_122 = arith.addf %mul3A_120, %mul3A_121 : vector<16xf32>
      %mul3A_123 = arith.mulf %gather3A_75, %gather3A_119 : vector<16xf32>
      %add3A_124 = arith.addf %add3A_122, %mul3A_123 : vector<16xf32>
      tpu.vector_store_idx %arg10[%broadcast_in_dim3A_116, %add3A_49], %add3A_124 {add = true} : memref<32x1024xf32, #tpu.memory_space<vmem>>[vector<16xi32>, vector<16xi32>], vector<16xf32>,
      %broadcast_in_dim3A_125 = arith.constant 5 : i32
      %broadcast_in_dim3A_126 = vector.broadcast %broadcast_in_dim3A_125 : i32 to vector<16xi32>
      %gather3A_127 = tpu.vector_load_idx %arg9[%broadcast_in_dim3A_126, %gather3A] : memref<32x2048xf32, #tpu.memory_space<vmem>>[vector<16xi32>, vector<16xi32>], vector<16xf32>,
      %gather3A_128 = tpu.vector_load_idx %arg9[%broadcast_in_dim3A_126, %gather3A_63] : memref<32x2048xf32, #tpu.memory_space<vmem>>[vector<16xi32>, vector<16xi32>], vector<16xf32>,
      %gather3A_129 = tpu.vector_load_idx %arg9[%broadcast_in_dim3A_126, %gather3A_71] : memref<32x2048xf32, #tpu.memory_space<vmem>>[vector<16xi32>, vector<16xi32>], vector<16xf32>,
      %mul3A_130 = arith.mulf %gather3A_59, %gather3A_127 : vector<16xf32>
      %mul3A_131 = arith.mulf %gather3A_67, %gather3A_128 : vector<16xf32>
      %add3A_132 = arith.addf %mul3A_130, %mul3A_131 : vector<16xf32>
      %mul3A_133 = arith.mulf %gather3A_75, %gather3A_129 : vector<16xf32>
      %add3A_134 = arith.addf %add3A_132, %mul3A_133 : vector<16xf32>
      tpu.vector_store_idx %arg10[%broadcast_in_dim3A_126, %add3A_49], %add3A_134 {add = true} : memref<32x1024xf32, #tpu.memory_space<vmem>>[vector<16xi32>, vector<16xi32>], vector<16xf32>,
      %broadcast_in_dim3A_135 = arith.constant 6 : i32
      %broadcast_in_dim3A_136 = vector.broadcast %broadcast_in_dim3A_135 : i32 to vector<16xi32>
      %gather3A_137 = tpu.vector_load_idx %arg9[%broadcast_in_dim3A_136, %gather3A] : memref<32x2048xf32, #tpu.memory_space<vmem>>[vector<16xi32>, vector<16xi32>], vector<16xf32>,
      %gather3A_138 = tpu.vector_load_idx %arg9[%broadcast_in_dim3A_136, %gather3A_63] : memref<32x2048xf32, #tpu.memory_space<vmem>>[vector<16xi32>, vector<16xi32>], vector<16xf32>,
      %gather3A_139 = tpu.vector_load_idx %arg9[%broadcast_in_dim3A_136, %gather3A_71] : memref<32x2048xf32, #tpu.memory_space<vmem>>[vector<16xi32>, vector<16xi32>], vector<16xf32>,
      %mul3A_140 = arith.mulf %gather3A_59, %gather3A_137 : vector<16xf32>
      %mul3A_141 = arith.mulf %gather3A_67, %gather3A_138 : vector<16xf32>
      %add3A_142 = arith.addf %mul3A_140, %mul3A_141 : vector<16xf32>
      %mul3A_143 = arith.mulf %gather3A_75, %gather3A_139 : vector<16xf32>
      %add3A_144 = arith.addf %add3A_142, %mul3A_143 : vector<16xf32>
      tpu.vector_store_idx %arg10[%broadcast_in_dim3A_136, %add3A_49], %add3A_144 {add = true} : memref<32x1024xf32, #tpu.memory_space<vmem>>[vector<16xi32>, vector<16xi32>], vector<16xf32>,
      %broadcast_in_dim3A_145 = arith.constant 7 : i32
      %broadcast_in_dim3A_146 = vector.broadcast %broadcast_in_dim3A_145 : i32 to vector<16xi32>
      %gather3A_147 = tpu.vector_load_idx %arg9[%broadcast_in_dim3A_146, %gather3A] : memref<32x2048xf32, #tpu.memory_space<vmem>>[vector<16xi32>, vector<16xi32>], vector<16xf32>,
      %gather3A_148 = tpu.vector_load_idx %arg9[%broadcast_in_dim3A_146, %gather3A_63] : memref<32x2048xf32, #tpu.memory_space<vmem>>[vector<16xi32>, vector<16xi32>], vector<16xf32>,
      %gather3A_149 = tpu.vector_load_idx %arg9[%broadcast_in_dim3A_146, %gather3A_71] : memref<32x2048xf32, #tpu.memory_space<vmem>>[vector<16xi32>, vector<16xi32>], vector<16xf32>,
      %mul3A_150 = arith.mulf %gather3A_59, %gather3A_147 : vector<16xf32>
      %mul3A_151 = arith.mulf %gather3A_67, %gather3A_148 : vector<16xf32>
      %add3A_152 = arith.addf %mul3A_150, %mul3A_151 : vector<16xf32>
      %mul3A_153 = arith.mulf %gather3A_75, %gather3A_149 : vector<16xf32>
      %add3A_154 = arith.addf %add3A_152, %mul3A_153 : vector<16xf32>
      tpu.vector_store_idx %arg10[%broadcast_in_dim3A_146, %add3A_49], %add3A_154 {add = true} : memref<32x1024xf32, #tpu.memory_space<vmem>>[vector<16xi32>, vector<16xi32>], vector<16xf32>,
      %broadcast_in_dim3A_155 = arith.constant 8 : i32
      %broadcast_in_dim3A_156 = vector.broadcast %broadcast_in_dim3A_155 : i32 to vector<16xi32>
      %gather3A_157 = tpu.vector_load_idx %arg9[%broadcast_in_dim3A_156, %gather3A] : memref<32x2048xf32, #tpu.memory_space<vmem>>[vector<16xi32>, vector<16xi32>], vector<16xf32>,
      %gather3A_158 = tpu.vector_load_idx %arg9[%broadcast_in_dim3A_156, %gather3A_63] : memref<32x2048xf32, #tpu.memory_space<vmem>>[vector<16xi32>, vector<16xi32>], vector<16xf32>,
      %gather3A_159 = tpu.vector_load_idx %arg9[%broadcast_in_dim3A_156, %gather3A_71] : memref<32x2048xf32, #tpu.memory_space<vmem>>[vector<16xi32>, vector<16xi32>], vector<16xf32>,
      %mul3A_160 = arith.mulf %gather3A_59, %gather3A_157 : vector<16xf32>
      %mul3A_161 = arith.mulf %gather3A_67, %gather3A_158 : vector<16xf32>
      %add3A_162 = arith.addf %mul3A_160, %mul3A_161 : vector<16xf32>
      %mul3A_163 = arith.mulf %gather3A_75, %gather3A_159 : vector<16xf32>
      %add3A_164 = arith.addf %add3A_162, %mul3A_163 : vector<16xf32>
      tpu.vector_store_idx %arg10[%broadcast_in_dim3A_156, %add3A_49], %add3A_164 {add = true} : memref<32x1024xf32, #tpu.memory_space<vmem>>[vector<16xi32>, vector<16xi32>], vector<16xf32>,
      %broadcast_in_dim3A_165 = arith.constant 9 : i32
      %broadcast_in_dim3A_166 = vector.broadcast %broadcast_in_dim3A_165 : i32 to vector<16xi32>
      %gather3A_167 = tpu.vector_load_idx %arg9[%broadcast_in_dim3A_166, %gather3A] : memref<32x2048xf32, #tpu.memory_space<vmem>>[vector<16xi32>, vector<16xi32>], vector<16xf32>,
      %gather3A_168 = tpu.vector_load_idx %arg9[%broadcast_in_dim3A_166, %gather3A_63] : memref<32x2048xf32, #tpu.memory_space<vmem>>[vector<16xi32>, vector<16xi32>], vector<16xf32>,
      %gather3A_169 = tpu.vector_load_idx %arg9[%broadcast_in_dim3A_166, %gather3A_71] : memref<32x2048xf32, #tpu.memory_space<vmem>>[vector<16xi32>, vector<16xi32>], vector<16xf32>,
      %mul3A_170 = arith.mulf %gather3A_59, %gather3A_167 : vector<16xf32>
      %mul3A_171 = arith.mulf %gather3A_67, %gather3A_168 : vector<16xf32>
      %add3A_172 = arith.addf %mul3A_170, %mul3A_171 : vector<16xf32>
      %mul3A_173 = arith.mulf %gather3A_75, %gather3A_169 : vector<16xf32>
      %add3A_174 = arith.addf %add3A_172, %mul3A_173 : vector<16xf32>
      tpu.vector_store_idx %arg10[%broadcast_in_dim3A_166, %add3A_49], %add3A_174 {add = true} : memref<32x1024xf32, #tpu.memory_space<vmem>>[vector<16xi32>, vector<16xi32>], vector<16xf32>,
      %broadcast_in_dim3A_175 = arith.constant 10 : i32
      %broadcast_in_dim3A_176 = vector.broadcast %broadcast_in_dim3A_175 : i32 to vector<16xi32>
      %gather3A_177 = tpu.vector_load_idx %arg9[%broadcast_in_dim3A_176, %gather3A] : memref<32x2048xf32, #tpu.memory_space<vmem>>[vector<16xi32>, vector<16xi32>], vector<16xf32>,
      %gather3A_178 = tpu.vector_load_idx %arg9[%broadcast_in_dim3A_176, %gather3A_63] : memref<32x2048xf32, #tpu.memory_space<vmem>>[vector<16xi32>, vector<16xi32>], vector<16xf32>,
      %gather3A_179 = tpu.vector_load_idx %arg9[%broadcast_in_dim3A_176, %gather3A_71] : memref<32x2048xf32, #tpu.memory_space<vmem>>[vector<16xi32>, vector<16xi32>], vector<16xf32>,
      %mul3A_180 = arith.mulf %gather3A_59, %gather3A_177 : vector<16xf32>
      %mul3A_181 = arith.mulf %gather3A_67, %gather3A_178 : vector<16xf32>
      %add3A_182 = arith.addf %mul3A_180, %mul3A_181 : vector<16xf32>
      %mul3A_183 = arith.mulf %gather3A_75, %gather3A_179 : vector<16xf32>
      %add3A_184 = arith.addf %add3A_182, %mul3A_183 : vector<16xf32>
      tpu.vector_store_idx %arg10[%broadcast_in_dim3A_176, %add3A_49], %add3A_184 {add = true} : memref<32x1024xf32, #tpu.memory_space<vmem>>[vector<16xi32>, vector<16xi32>], vector<16xf32>,
      %broadcast_in_dim3A_185 = arith.constant 11 : i32
      %broadcast_in_dim3A_186 = vector.broadcast %broadcast_in_dim3A_185 : i32 to vector<16xi32>
      %gather3A_187 = tpu.vector_load_idx %arg9[%broadcast_in_dim3A_186, %gather3A] : memref<32x2048xf32, #tpu.memory_space<vmem>>[vector<16xi32>, vector<16xi32>], vector<16xf32>,
      %gather3A_188 = tpu.vector_load_idx %arg9[%broadcast_in_dim3A_186, %gather3A_63] : memref<32x2048xf32, #tpu.memory_space<vmem>>[vector<16xi32>, vector<16xi32>], vector<16xf32>,
      %gather3A_189 = tpu.vector_load_idx %arg9[%broadcast_in_dim3A_186, %gather3A_71] : memref<32x2048xf32, #tpu.memory_space<vmem>>[vector<16xi32>, vector<16xi32>], vector<16xf32>,
      %mul3A_190 = arith.mulf %gather3A_59, %gather3A_187 : vector<16xf32>
      %mul3A_191 = arith.mulf %gather3A_67, %gather3A_188 : vector<16xf32>
      %add3A_192 = arith.addf %mul3A_190, %mul3A_191 : vector<16xf32>
      %mul3A_193 = arith.mulf %gather3A_75, %gather3A_189 : vector<16xf32>
      %add3A_194 = arith.addf %add3A_192, %mul3A_193 : vector<16xf32>
      tpu.vector_store_idx %arg10[%broadcast_in_dim3A_186, %add3A_49], %add3A_194 {add = true} : memref<32x1024xf32, #tpu.memory_space<vmem>>[vector<16xi32>, vector<16xi32>], vector<16xf32>,
      %broadcast_in_dim3A_195 = arith.constant 12 : i32
      %broadcast_in_dim3A_196 = vector.broadcast %broadcast_in_dim3A_195 : i32 to vector<16xi32>
      %gather3A_197 = tpu.vector_load_idx %arg9[%broadcast_in_dim3A_196, %gather3A] : memref<32x2048xf32, #tpu.memory_space<vmem>>[vector<16xi32>, vector<16xi32>], vector<16xf32>,
      %gather3A_198 = tpu.vector_load_idx %arg9[%broadcast_in_dim3A_196, %gather3A_63] : memref<32x2048xf32, #tpu.memory_space<vmem>>[vector<16xi32>, vector<16xi32>], vector<16xf32>,
      %gather3A_199 = tpu.vector_load_idx %arg9[%broadcast_in_dim3A_196, %gather3A_71] : memref<32x2048xf32, #tpu.memory_space<vmem>>[vector<16xi32>, vector<16xi32>], vector<16xf32>,
      %mul3A_200 = arith.mulf %gather3A_59, %gather3A_197 : vector<16xf32>
      %mul3A_201 = arith.mulf %gather3A_67, %gather3A_198 : vector<16xf32>
      %add3A_202 = arith.addf %mul3A_200, %mul3A_201 : vector<16xf32>
      %mul3A_203 = arith.mulf %gather3A_75, %gather3A_199 : vector<16xf32>
      %add3A_204 = arith.addf %add3A_202, %mul3A_203 : vector<16xf32>
      tpu.vector_store_idx %arg10[%broadcast_in_dim3A_196, %add3A_49], %add3A_204 {add = true} : memref<32x1024xf32, #tpu.memory_space<vmem>>[vector<16xi32>, vector<16xi32>], vector<16xf32>,
      %broadcast_in_dim3A_205 = arith.constant 13 : i32
      %broadcast_in_dim3A_206 = vector.broadcast %broadcast_in_dim3A_205 : i32 to vector<16xi32>
      %gather3A_207 = tpu.vector_load_idx %arg9[%broadcast_in_dim3A_206, %gather3A] : memref<32x2048xf32, #tpu.memory_space<vmem>>[vector<16xi32>, vector<16xi32>], vector<16xf32>,
      %gather3A_208 = tpu.vector_load_idx %arg9[%broadcast_in_dim3A_206, %gather3A_63] : memref<32x2048xf32, #tpu.memory_space<vmem>>[vector<16xi32>, vector<16xi32>], vector<16xf32>,
      %gather3A_209 = tpu.vector_load_idx %arg9[%broadcast_in_dim3A_206, %gather3A_71] : memref<32x2048xf32, #tpu.memory_space<vmem>>[vector<16xi32>, vector<16xi32>], vector<16xf32>,
      %mul3A_210 = arith.mulf %gather3A_59, %gather3A_207 : vector<16xf32>
      %mul3A_211 = arith.mulf %gather3A_67, %gather3A_208 : vector<16xf32>
      %add3A_212 = arith.addf %mul3A_210, %mul3A_211 : vector<16xf32>
      %mul3A_213 = arith.mulf %gather3A_75, %gather3A_209 : vector<16xf32>
      %add3A_214 = arith.addf %add3A_212, %mul3A_213 : vector<16xf32>
      tpu.vector_store_idx %arg10[%broadcast_in_dim3A_206, %add3A_49], %add3A_214 {add = true} : memref<32x1024xf32, #tpu.memory_space<vmem>>[vector<16xi32>, vector<16xi32>], vector<16xf32>,
      %broadcast_in_dim3A_215 = arith.constant 14 : i32
      %broadcast_in_dim3A_216 = vector.broadcast %broadcast_in_dim3A_215 : i32 to vector<16xi32>
      %gather3A_217 = tpu.vector_load_idx %arg9[%broadcast_in_dim3A_216, %gather3A] : memref<32x2048xf32, #tpu.memory_space<vmem>>[vector<16xi32>, vector<16xi32>], vector<16xf32>,
      %gather3A_218 = tpu.vector_load_idx %arg9[%broadcast_in_dim3A_216, %gather3A_63] : memref<32x2048xf32, #tpu.memory_space<vmem>>[vector<16xi32>, vector<16xi32>], vector<16xf32>,
      %gather3A_219 = tpu.vector_load_idx %arg9[%broadcast_in_dim3A_216, %gather3A_71] : memref<32x2048xf32, #tpu.memory_space<vmem>>[vector<16xi32>, vector<16xi32>], vector<16xf32>,
      %mul3A_220 = arith.mulf %gather3A_59, %gather3A_217 : vector<16xf32>
      %mul3A_221 = arith.mulf %gather3A_67, %gather3A_218 : vector<16xf32>
      %add3A_222 = arith.addf %mul3A_220, %mul3A_221 : vector<16xf32>
      %mul3A_223 = arith.mulf %gather3A_75, %gather3A_219 : vector<16xf32>
      %add3A_224 = arith.addf %add3A_222, %mul3A_223 : vector<16xf32>
      tpu.vector_store_idx %arg10[%broadcast_in_dim3A_216, %add3A_49], %add3A_224 {add = true} : memref<32x1024xf32, #tpu.memory_space<vmem>>[vector<16xi32>, vector<16xi32>], vector<16xf32>,
      %broadcast_in_dim3A_225 = arith.constant 15 : i32
      %broadcast_in_dim3A_226 = vector.broadcast %broadcast_in_dim3A_225 : i32 to vector<16xi32>
      %gather3A_227 = tpu.vector_load_idx %arg9[%broadcast_in_dim3A_226, %gather3A] : memref<32x2048xf32, #tpu.memory_space<vmem>>[vector<16xi32>, vector<16xi32>], vector<16xf32>,
      %gather3A_228 = tpu.vector_load_idx %arg9[%broadcast_in_dim3A_226, %gather3A_63] : memref<32x2048xf32, #tpu.memory_space<vmem>>[vector<16xi32>, vector<16xi32>], vector<16xf32>,
      %gather3A_229 = tpu.vector_load_idx %arg9[%broadcast_in_dim3A_226, %gather3A_71] : memref<32x2048xf32, #tpu.memory_space<vmem>>[vector<16xi32>, vector<16xi32>], vector<16xf32>,
      %mul3A_230 = arith.mulf %gather3A_59, %gather3A_227 : vector<16xf32>
      %mul3A_231 = arith.mulf %gather3A_67, %gather3A_228 : vector<16xf32>
      %add3A_232 = arith.addf %mul3A_230, %mul3A_231 : vector<16xf32>
      %mul3A_233 = arith.mulf %gather3A_75, %gather3A_229 : vector<16xf32>
      %add3A_234 = arith.addf %add3A_232, %mul3A_233 : vector<16xf32>
      tpu.vector_store_idx %arg10[%broadcast_in_dim3A_226, %add3A_49], %add3A_234 {add = true} : memref<32x1024xf32, #tpu.memory_space<vmem>>[vector<16xi32>, vector<16xi32>], vector<16xf32>,
      %broadcast_in_dim3A_235 = arith.constant 16 : i32
      %broadcast_in_dim3A_236 = vector.broadcast %broadcast_in_dim3A_235 : i32 to vector<16xi32>
      %gather3A_237 = tpu.vector_load_idx %arg9[%broadcast_in_dim3A_236, %gather3A] : memref<32x2048xf32, #tpu.memory_space<vmem>>[vector<16xi32>, vector<16xi32>], vector<16xf32>,
      %gather3A_238 = tpu.vector_load_idx %arg9[%broadcast_in_dim3A_236, %gather3A_63] : memref<32x2048xf32, #tpu.memory_space<vmem>>[vector<16xi32>, vector<16xi32>], vector<16xf32>,
      %gather3A_239 = tpu.vector_load_idx %arg9[%broadcast_in_dim3A_236, %gather3A_71] : memref<32x2048xf32, #tpu.memory_space<vmem>>[vector<16xi32>, vector<16xi32>], vector<16xf32>,
      %mul3A_240 = arith.mulf %gather3A_59, %gather3A_237 : vector<16xf32>
      %mul3A_241 = arith.mulf %gather3A_67, %gather3A_238 : vector<16xf32>
      %add3A_242 = arith.addf %mul3A_240, %mul3A_241 : vector<16xf32>
      %mul3A_243 = arith.mulf %gather3A_75, %gather3A_239 : vector<16xf32>
      %add3A_244 = arith.addf %add3A_242, %mul3A_243 : vector<16xf32>
      tpu.vector_store_idx %arg10[%broadcast_in_dim3A_236, %add3A_49], %add3A_244 {add = true} : memref<32x1024xf32, #tpu.memory_space<vmem>>[vector<16xi32>, vector<16xi32>], vector<16xf32>,
      %broadcast_in_dim3A_245 = arith.constant 17 : i32
      %broadcast_in_dim3A_246 = vector.broadcast %broadcast_in_dim3A_245 : i32 to vector<16xi32>
      %gather3A_247 = tpu.vector_load_idx %arg9[%broadcast_in_dim3A_246, %gather3A] : memref<32x2048xf32, #tpu.memory_space<vmem>>[vector<16xi32>, vector<16xi32>], vector<16xf32>,
      %gather3A_248 = tpu.vector_load_idx %arg9[%broadcast_in_dim3A_246, %gather3A_63] : memref<32x2048xf32, #tpu.memory_space<vmem>>[vector<16xi32>, vector<16xi32>], vector<16xf32>,
      %gather3A_249 = tpu.vector_load_idx %arg9[%broadcast_in_dim3A_246, %gather3A_71] : memref<32x2048xf32, #tpu.memory_space<vmem>>[vector<16xi32>, vector<16xi32>], vector<16xf32>,
      %mul3A_250 = arith.mulf %gather3A_59, %gather3A_247 : vector<16xf32>
      %mul3A_251 = arith.mulf %gather3A_67, %gather3A_248 : vector<16xf32>
      %add3A_252 = arith.addf %mul3A_250, %mul3A_251 : vector<16xf32>
      %mul3A_253 = arith.mulf %gather3A_75, %gather3A_249 : vector<16xf32>
      %add3A_254 = arith.addf %add3A_252, %mul3A_253 : vector<16xf32>
      tpu.vector_store_idx %arg10[%broadcast_in_dim3A_246, %add3A_49], %add3A_254 {add = true} : memref<32x1024xf32, #tpu.memory_space<vmem>>[vector<16xi32>, vector<16xi32>], vector<16xf32>,
      %broadcast_in_dim3A_255 = arith.constant 18 : i32
      %broadcast_in_dim3A_256 = vector.broadcast %broadcast_in_dim3A_255 : i32 to vector<16xi32>
      %gather3A_257 = tpu.vector_load_idx %arg9[%broadcast_in_dim3A_256, %gather3A] : memref<32x2048xf32, #tpu.memory_space<vmem>>[vector<16xi32>, vector<16xi32>], vector<16xf32>,
      %gather3A_258 = tpu.vector_load_idx %arg9[%broadcast_in_dim3A_256, %gather3A_63] : memref<32x2048xf32, #tpu.memory_space<vmem>>[vector<16xi32>, vector<16xi32>], vector<16xf32>,
      %gather3A_259 = tpu.vector_load_idx %arg9[%broadcast_in_dim3A_256, %gather3A_71] : memref<32x2048xf32, #tpu.memory_space<vmem>>[vector<16xi32>, vector<16xi32>], vector<16xf32>,
      %mul3A_260 = arith.mulf %gather3A_59, %gather3A_257 : vector<16xf32>
      %mul3A_261 = arith.mulf %gather3A_67, %gather3A_258 : vector<16xf32>
      %add3A_262 = arith.addf %mul3A_260, %mul3A_261 : vector<16xf32>
      %mul3A_263 = arith.mulf %gather3A_75, %gather3A_259 : vector<16xf32>
      %add3A_264 = arith.addf %add3A_262, %mul3A_263 : vector<16xf32>
      tpu.vector_store_idx %arg10[%broadcast_in_dim3A_256, %add3A_49], %add3A_264 {add = true} : memref<32x1024xf32, #tpu.memory_space<vmem>>[vector<16xi32>, vector<16xi32>], vector<16xf32>,
      %broadcast_in_dim3A_265 = arith.constant 19 : i32
      %broadcast_in_dim3A_266 = vector.broadcast %broadcast_in_dim3A_265 : i32 to vector<16xi32>
      %gather3A_267 = tpu.vector_load_idx %arg9[%broadcast_in_dim3A_266, %gather3A] : memref<32x2048xf32, #tpu.memory_space<vmem>>[vector<16xi32>, vector<16xi32>], vector<16xf32>,
      %gather3A_268 = tpu.vector_load_idx %arg9[%broadcast_in_dim3A_266, %gather3A_63] : memref<32x2048xf32, #tpu.memory_space<vmem>>[vector<16xi32>, vector<16xi32>], vector<16xf32>,
      %gather3A_269 = tpu.vector_load_idx %arg9[%broadcast_in_dim3A_266, %gather3A_71] : memref<32x2048xf32, #tpu.memory_space<vmem>>[vector<16xi32>, vector<16xi32>], vector<16xf32>,
      %mul3A_270 = arith.mulf %gather3A_59, %gather3A_267 : vector<16xf32>
      %mul3A_271 = arith.mulf %gather3A_67, %gather3A_268 : vector<16xf32>
      %add3A_272 = arith.addf %mul3A_270, %mul3A_271 : vector<16xf32>
      %mul3A_273 = arith.mulf %gather3A_75, %gather3A_269 : vector<16xf32>
      %add3A_274 = arith.addf %add3A_272, %mul3A_273 : vector<16xf32>
      tpu.vector_store_idx %arg10[%broadcast_in_dim3A_266, %add3A_49], %add3A_274 {add = true} : memref<32x1024xf32, #tpu.memory_space<vmem>>[vector<16xi32>, vector<16xi32>], vector<16xf32>,
      %broadcast_in_dim3A_275 = arith.constant 20 : i32
      %broadcast_in_dim3A_276 = vector.broadcast %broadcast_in_dim3A_275 : i32 to vector<16xi32>
      %gather3A_277 = tpu.vector_load_idx %arg9[%broadcast_in_dim3A_276, %gather3A] : memref<32x2048xf32, #tpu.memory_space<vmem>>[vector<16xi32>, vector<16xi32>], vector<16xf32>,
      %gather3A_278 = tpu.vector_load_idx %arg9[%broadcast_in_dim3A_276, %gather3A_63] : memref<32x2048xf32, #tpu.memory_space<vmem>>[vector<16xi32>, vector<16xi32>], vector<16xf32>,
      %gather3A_279 = tpu.vector_load_idx %arg9[%broadcast_in_dim3A_276, %gather3A_71] : memref<32x2048xf32, #tpu.memory_space<vmem>>[vector<16xi32>, vector<16xi32>], vector<16xf32>,
      %mul3A_280 = arith.mulf %gather3A_59, %gather3A_277 : vector<16xf32>
      %mul3A_281 = arith.mulf %gather3A_67, %gather3A_278 : vector<16xf32>
      %add3A_282 = arith.addf %mul3A_280, %mul3A_281 : vector<16xf32>
      %mul3A_283 = arith.mulf %gather3A_75, %gather3A_279 : vector<16xf32>
      %add3A_284 = arith.addf %add3A_282, %mul3A_283 : vector<16xf32>
      tpu.vector_store_idx %arg10[%broadcast_in_dim3A_276, %add3A_49], %add3A_284 {add = true} : memref<32x1024xf32, #tpu.memory_space<vmem>>[vector<16xi32>, vector<16xi32>], vector<16xf32>,
      %broadcast_in_dim3A_285 = arith.constant 21 : i32
      %broadcast_in_dim3A_286 = vector.broadcast %broadcast_in_dim3A_285 : i32 to vector<16xi32>
      %gather3A_287 = tpu.vector_load_idx %arg9[%broadcast_in_dim3A_286, %gather3A] : memref<32x2048xf32, #tpu.memory_space<vmem>>[vector<16xi32>, vector<16xi32>], vector<16xf32>,
      %gather3A_288 = tpu.vector_load_idx %arg9[%broadcast_in_dim3A_286, %gather3A_63] : memref<32x2048xf32, #tpu.memory_space<vmem>>[vector<16xi32>, vector<16xi32>], vector<16xf32>,
      %gather3A_289 = tpu.vector_load_idx %arg9[%broadcast_in_dim3A_286, %gather3A_71] : memref<32x2048xf32, #tpu.memory_space<vmem>>[vector<16xi32>, vector<16xi32>], vector<16xf32>,
      %mul3A_290 = arith.mulf %gather3A_59, %gather3A_287 : vector<16xf32>
      %mul3A_291 = arith.mulf %gather3A_67, %gather3A_288 : vector<16xf32>
      %add3A_292 = arith.addf %mul3A_290, %mul3A_291 : vector<16xf32>
      %mul3A_293 = arith.mulf %gather3A_75, %gather3A_289 : vector<16xf32>
      %add3A_294 = arith.addf %add3A_292, %mul3A_293 : vector<16xf32>
      tpu.vector_store_idx %arg10[%broadcast_in_dim3A_286, %add3A_49], %add3A_294 {add = true} : memref<32x1024xf32, #tpu.memory_space<vmem>>[vector<16xi32>, vector<16xi32>], vector<16xf32>,
      %broadcast_in_dim3A_295 = arith.constant 22 : i32
      %broadcast_in_dim3A_296 = vector.broadcast %broadcast_in_dim3A_295 : i32 to vector<16xi32>
      %gather3A_297 = tpu.vector_load_idx %arg9[%broadcast_in_dim3A_296, %gather3A] : memref<32x2048xf32, #tpu.memory_space<vmem>>[vector<16xi32>, vector<16xi32>], vector<16xf32>,
      %gather3A_298 = tpu.vector_load_idx %arg9[%broadcast_in_dim3A_296, %gather3A_63] : memref<32x2048xf32, #tpu.memory_space<vmem>>[vector<16xi32>, vector<16xi32>], vector<16xf32>,
      %gather3A_299 = tpu.vector_load_idx %arg9[%broadcast_in_dim3A_296, %gather3A_71] : memref<32x2048xf32, #tpu.memory_space<vmem>>[vector<16xi32>, vector<16xi32>], vector<16xf32>,
      %mul3A_300 = arith.mulf %gather3A_59, %gather3A_297 : vector<16xf32>
      %mul3A_301 = arith.mulf %gather3A_67, %gather3A_298 : vector<16xf32>
      %add3A_302 = arith.addf %mul3A_300, %mul3A_301 : vector<16xf32>
      %mul3A_303 = arith.mulf %gather3A_75, %gather3A_299 : vector<16xf32>
      %add3A_304 = arith.addf %add3A_302, %mul3A_303 : vector<16xf32>
      tpu.vector_store_idx %arg10[%broadcast_in_dim3A_296, %add3A_49], %add3A_304 {add = true} : memref<32x1024xf32, #tpu.memory_space<vmem>>[vector<16xi32>, vector<16xi32>], vector<16xf32>,
      %broadcast_in_dim3A_305 = arith.constant 23 : i32
      %broadcast_in_dim3A_306 = vector.broadcast %broadcast_in_dim3A_305 : i32 to vector<16xi32>
      %gather3A_307 = tpu.vector_load_idx %arg9[%broadcast_in_dim3A_306, %gather3A] : memref<32x2048xf32, #tpu.memory_space<vmem>>[vector<16xi32>, vector<16xi32>], vector<16xf32>,
      %gather3A_308 = tpu.vector_load_idx %arg9[%broadcast_in_dim3A_306, %gather3A_63] : memref<32x2048xf32, #tpu.memory_space<vmem>>[vector<16xi32>, vector<16xi32>], vector<16xf32>,
      %gather3A_309 = tpu.vector_load_idx %arg9[%broadcast_in_dim3A_306, %gather3A_71] : memref<32x2048xf32, #tpu.memory_space<vmem>>[vector<16xi32>, vector<16xi32>], vector<16xf32>,
      %mul3A_310 = arith.mulf %gather3A_59, %gather3A_307 : vector<16xf32>
      %mul3A_311 = arith.mulf %gather3A_67, %gather3A_308 : vector<16xf32>
      %add3A_312 = arith.addf %mul3A_310, %mul3A_311 : vector<16xf32>
      %mul3A_313 = arith.mulf %gather3A_75, %gather3A_309 : vector<16xf32>
      %add3A_314 = arith.addf %add3A_312, %mul3A_313 : vector<16xf32>
      tpu.vector_store_idx %arg10[%broadcast_in_dim3A_306, %add3A_49], %add3A_314 {add = true} : memref<32x1024xf32, #tpu.memory_space<vmem>>[vector<16xi32>, vector<16xi32>], vector<16xf32>,
      %broadcast_in_dim3A_315 = arith.constant 24 : i32
      %broadcast_in_dim3A_316 = vector.broadcast %broadcast_in_dim3A_315 : i32 to vector<16xi32>
      %gather3A_317 = tpu.vector_load_idx %arg9[%broadcast_in_dim3A_316, %gather3A] : memref<32x2048xf32, #tpu.memory_space<vmem>>[vector<16xi32>, vector<16xi32>], vector<16xf32>,
      %gather3A_318 = tpu.vector_load_idx %arg9[%broadcast_in_dim3A_316, %gather3A_63] : memref<32x2048xf32, #tpu.memory_space<vmem>>[vector<16xi32>, vector<16xi32>], vector<16xf32>,
      %gather3A_319 = tpu.vector_load_idx %arg9[%broadcast_in_dim3A_316, %gather3A_71] : memref<32x2048xf32, #tpu.memory_space<vmem>>[vector<16xi32>, vector<16xi32>], vector<16xf32>,
      %mul3A_320 = arith.mulf %gather3A_59, %gather3A_317 : vector<16xf32>
      %mul3A_321 = arith.mulf %gather3A_67, %gather3A_318 : vector<16xf32>
      %add3A_322 = arith.addf %mul3A_320, %mul3A_321 : vector<16xf32>
      %mul3A_323 = arith.mulf %gather3A_75, %gather3A_319 : vector<16xf32>
      %add3A_324 = arith.addf %add3A_322, %mul3A_323 : vector<16xf32>
      tpu.vector_store_idx %arg10[%broadcast_in_dim3A_316, %add3A_49], %add3A_324 {add = true} : memref<32x1024xf32, #tpu.memory_space<vmem>>[vector<16xi32>, vector<16xi32>], vector<16xf32>,
      %broadcast_in_dim3A_325 = arith.constant 25 : i32
      %broadcast_in_dim3A_326 = vector.broadcast %broadcast_in_dim3A_325 : i32 to vector<16xi32>
      %gather3A_327 = tpu.vector_load_idx %arg9[%broadcast_in_dim3A_326, %gather3A] : memref<32x2048xf32, #tpu.memory_space<vmem>>[vector<16xi32>, vector<16xi32>], vector<16xf32>,
      %gather3A_328 = tpu.vector_load_idx %arg9[%broadcast_in_dim3A_326, %gather3A_63] : memref<32x2048xf32, #tpu.memory_space<vmem>>[vector<16xi32>, vector<16xi32>], vector<16xf32>,
      %gather3A_329 = tpu.vector_load_idx %arg9[%broadcast_in_dim3A_326, %gather3A_71] : memref<32x2048xf32, #tpu.memory_space<vmem>>[vector<16xi32>, vector<16xi32>], vector<16xf32>,
      %mul3A_330 = arith.mulf %gather3A_59, %gather3A_327 : vector<16xf32>
      %mul3A_331 = arith.mulf %gather3A_67, %gather3A_328 : vector<16xf32>
      %add3A_332 = arith.addf %mul3A_330, %mul3A_331 : vector<16xf32>
      %mul3A_333 = arith.mulf %gather3A_75, %gather3A_329 : vector<16xf32>
      %add3A_334 = arith.addf %add3A_332, %mul3A_333 : vector<16xf32>
      tpu.vector_store_idx %arg10[%broadcast_in_dim3A_326, %add3A_49], %add3A_334 {add = true} : memref<32x1024xf32, #tpu.memory_space<vmem>>[vector<16xi32>, vector<16xi32>], vector<16xf32>,
      %broadcast_in_dim3A_335 = arith.constant 26 : i32
      %broadcast_in_dim3A_336 = vector.broadcast %broadcast_in_dim3A_335 : i32 to vector<16xi32>
      %gather3A_337 = tpu.vector_load_idx %arg9[%broadcast_in_dim3A_336, %gather3A] : memref<32x2048xf32, #tpu.memory_space<vmem>>[vector<16xi32>, vector<16xi32>], vector<16xf32>,
      %gather3A_338 = tpu.vector_load_idx %arg9[%broadcast_in_dim3A_336, %gather3A_63] : memref<32x2048xf32, #tpu.memory_space<vmem>>[vector<16xi32>, vector<16xi32>], vector<16xf32>,
      %gather3A_339 = tpu.vector_load_idx %arg9[%broadcast_in_dim3A_336, %gather3A_71] : memref<32x2048xf32, #tpu.memory_space<vmem>>[vector<16xi32>, vector<16xi32>], vector<16xf32>,
      %mul3A_340 = arith.mulf %gather3A_59, %gather3A_337 : vector<16xf32>
      %mul3A_341 = arith.mulf %gather3A_67, %gather3A_338 : vector<16xf32>
      %add3A_342 = arith.addf %mul3A_340, %mul3A_341 : vector<16xf32>
      %mul3A_343 = arith.mulf %gather3A_75, %gather3A_339 : vector<16xf32>
      %add3A_344 = arith.addf %add3A_342, %mul3A_343 : vector<16xf32>
      tpu.vector_store_idx %arg10[%broadcast_in_dim3A_336, %add3A_49], %add3A_344 {add = true} : memref<32x1024xf32, #tpu.memory_space<vmem>>[vector<16xi32>, vector<16xi32>], vector<16xf32>,
      %broadcast_in_dim3A_345 = arith.constant 27 : i32
      %broadcast_in_dim3A_346 = vector.broadcast %broadcast_in_dim3A_345 : i32 to vector<16xi32>
      %gather3A_347 = tpu.vector_load_idx %arg9[%broadcast_in_dim3A_346, %gather3A] : memref<32x2048xf32, #tpu.memory_space<vmem>>[vector<16xi32>, vector<16xi32>], vector<16xf32>,
      %gather3A_348 = tpu.vector_load_idx %arg9[%broadcast_in_dim3A_346, %gather3A_63] : memref<32x2048xf32, #tpu.memory_space<vmem>>[vector<16xi32>, vector<16xi32>], vector<16xf32>,
      %gather3A_349 = tpu.vector_load_idx %arg9[%broadcast_in_dim3A_346, %gather3A_71] : memref<32x2048xf32, #tpu.memory_space<vmem>>[vector<16xi32>, vector<16xi32>], vector<16xf32>,
      %mul3A_350 = arith.mulf %gather3A_59, %gather3A_347 : vector<16xf32>
      %mul3A_351 = arith.mulf %gather3A_67, %gather3A_348 : vector<16xf32>
      %add3A_352 = arith.addf %mul3A_350, %mul3A_351 : vector<16xf32>
      %mul3A_353 = arith.mulf %gather3A_75, %gather3A_349 : vector<16xf32>
      %add3A_354 = arith.addf %add3A_352, %mul3A_353 : vector<16xf32>
      tpu.vector_store_idx %arg10[%broadcast_in_dim3A_346, %add3A_49], %add3A_354 {add = true} : memref<32x1024xf32, #tpu.memory_space<vmem>>[vector<16xi32>, vector<16xi32>], vector<16xf32>,
      %broadcast_in_dim3A_355 = arith.constant 28 : i32
      %broadcast_in_dim3A_356 = vector.broadcast %broadcast_in_dim3A_355 : i32 to vector<16xi32>
      %gather3A_357 = tpu.vector_load_idx %arg9[%broadcast_in_dim3A_356, %gather3A] : memref<32x2048xf32, #tpu.memory_space<vmem>>[vector<16xi32>, vector<16xi32>], vector<16xf32>,
      %gather3A_358 = tpu.vector_load_idx %arg9[%broadcast_in_dim3A_356, %gather3A_63] : memref<32x2048xf32, #tpu.memory_space<vmem>>[vector<16xi32>, vector<16xi32>], vector<16xf32>,
      %gather3A_359 = tpu.vector_load_idx %arg9[%broadcast_in_dim3A_356, %gather3A_71] : memref<32x2048xf32, #tpu.memory_space<vmem>>[vector<16xi32>, vector<16xi32>], vector<16xf32>,
      %mul3A_360 = arith.mulf %gather3A_59, %gather3A_357 : vector<16xf32>
      %mul3A_361 = arith.mulf %gather3A_67, %gather3A_358 : vector<16xf32>
      %add3A_362 = arith.addf %mul3A_360, %mul3A_361 : vector<16xf32>
      %mul3A_363 = arith.mulf %gather3A_75, %gather3A_359 : vector<16xf32>
      %add3A_364 = arith.addf %add3A_362, %mul3A_363 : vector<16xf32>
      tpu.vector_store_idx %arg10[%broadcast_in_dim3A_356, %add3A_49], %add3A_364 {add = true} : memref<32x1024xf32, #tpu.memory_space<vmem>>[vector<16xi32>, vector<16xi32>], vector<16xf32>,
      %broadcast_in_dim3A_365 = arith.constant 29 : i32
      %broadcast_in_dim3A_366 = vector.broadcast %broadcast_in_dim3A_365 : i32 to vector<16xi32>
      %gather3A_367 = tpu.vector_load_idx %arg9[%broadcast_in_dim3A_366, %gather3A] : memref<32x2048xf32, #tpu.memory_space<vmem>>[vector<16xi32>, vector<16xi32>], vector<16xf32>,
      %gather3A_368 = tpu.vector_load_idx %arg9[%broadcast_in_dim3A_366, %gather3A_63] : memref<32x2048xf32, #tpu.memory_space<vmem>>[vector<16xi32>, vector<16xi32>], vector<16xf32>,
      %gather3A_369 = tpu.vector_load_idx %arg9[%broadcast_in_dim3A_366, %gather3A_71] : memref<32x2048xf32, #tpu.memory_space<vmem>>[vector<16xi32>, vector<16xi32>], vector<16xf32>,
      %mul3A_370 = arith.mulf %gather3A_59, %gather3A_367 : vector<16xf32>
      %mul3A_371 = arith.mulf %gather3A_67, %gather3A_368 : vector<16xf32>
      %add3A_372 = arith.addf %mul3A_370, %mul3A_371 : vector<16xf32>
      %mul3A_373 = arith.mulf %gather3A_75, %gather3A_369 : vector<16xf32>
      %add3A_374 = arith.addf %add3A_372, %mul3A_373 : vector<16xf32>
      tpu.vector_store_idx %arg10[%broadcast_in_dim3A_366, %add3A_49], %add3A_374 {add = true} : memref<32x1024xf32, #tpu.memory_space<vmem>>[vector<16xi32>, vector<16xi32>], vector<16xf32>,
      %broadcast_in_dim3A_375 = arith.constant 30 : i32
      %broadcast_in_dim3A_376 = vector.broadcast %broadcast_in_dim3A_375 : i32 to vector<16xi32>
      %gather3A_377 = tpu.vector_load_idx %arg9[%broadcast_in_dim3A_376, %gather3A] : memref<32x2048xf32, #tpu.memory_space<vmem>>[vector<16xi32>, vector<16xi32>], vector<16xf32>,
      %gather3A_378 = tpu.vector_load_idx %arg9[%broadcast_in_dim3A_376, %gather3A_63] : memref<32x2048xf32, #tpu.memory_space<vmem>>[vector<16xi32>, vector<16xi32>], vector<16xf32>,
      %gather3A_379 = tpu.vector_load_idx %arg9[%broadcast_in_dim3A_376, %gather3A_71] : memref<32x2048xf32, #tpu.memory_space<vmem>>[vector<16xi32>, vector<16xi32>], vector<16xf32>,
      %mul3A_380 = arith.mulf %gather3A_59, %gather3A_377 : vector<16xf32>
      %mul3A_381 = arith.mulf %gather3A_67, %gather3A_378 : vector<16xf32>
      %add3A_382 = arith.addf %mul3A_380, %mul3A_381 : vector<16xf32>
      %mul3A_383 = arith.mulf %gather3A_75, %gather3A_379 : vector<16xf32>
      %add3A_384 = arith.addf %add3A_382, %mul3A_383 : vector<16xf32>
      tpu.vector_store_idx %arg10[%broadcast_in_dim3A_376, %add3A_49], %add3A_384 {add = true} : memref<32x1024xf32, #tpu.memory_space<vmem>>[vector<16xi32>, vector<16xi32>], vector<16xf32>,
      %broadcast_in_dim3A_385 = arith.constant 31 : i32
      %broadcast_in_dim3A_386 = vector.broadcast %broadcast_in_dim3A_385 : i32 to vector<16xi32>
      %gather3A_387 = tpu.vector_load_idx %arg9[%broadcast_in_dim3A_386, %gather3A] : memref<32x2048xf32, #tpu.memory_space<vmem>>[vector<16xi32>, vector<16xi32>], vector<16xf32>,
      %gather3A_388 = tpu.vector_load_idx %arg9[%broadcast_in_dim3A_386, %gather3A_63] : memref<32x2048xf32, #tpu.memory_space<vmem>>[vector<16xi32>, vector<16xi32>], vector<16xf32>,
      %gather3A_389 = tpu.vector_load_idx %arg9[%broadcast_in_dim3A_386, %gather3A_71] : memref<32x2048xf32, #tpu.memory_space<vmem>>[vector<16xi32>, vector<16xi32>], vector<16xf32>,
      %mul3A_390 = arith.mulf %gather3A_59, %gather3A_387 : vector<16xf32>
      %mul3A_391 = arith.mulf %gather3A_67, %gather3A_388 : vector<16xf32>
      %add3A_392 = arith.addf %mul3A_390, %mul3A_391 : vector<16xf32>
      %mul3A_393 = arith.mulf %gather3A_75, %gather3A_389 : vector<16xf32>
      %add3A_394 = arith.addf %add3A_392, %mul3A_393 : vector<16xf32>
      tpu.vector_store_idx %arg10[%broadcast_in_dim3A_386, %add3A_49], %add3A_394 {add = true} : memref<32x1024xf32, #tpu.memory_space<vmem>>[vector<16xi32>, vector<16xi32>], vector<16xf32>,
    }
    %scan3A_44 = arith.constant 64 : i32
    "tpu.region"() ({
      %run_scoped3A = tpu.sem_alloc : memref<!tpu.dma_semaphore, #tpu.memory_space<semaphore_mem>>
      %dma_start3A = tpu.memref_slice %arg6[%multiple_of3A_35, %multiple_of3A] : memref<128x8192xf32, #tpu.memory_space<hbm>> -> memref<32x1024xf32, #tpu.memory_space<hbm>>
      %dma_start3A_45 = tpu.memref_slice %arg6[%multiple_of3A_35, %multiple_of3A] : memref<128x8192xf32, #tpu.memory_space<hbm>> -> memref<32x1024xf32, #tpu.memory_space<hbm>>
      tpu.enqueue_dma source(%arg10 : memref<32x1024xf32, #tpu.memory_space<vmem>>) target(%dma_start3A_45 : memref<32x1024xf32, #tpu.memory_space<hbm>>) target_semaphore(%run_scoped3A : memref<!tpu.dma_semaphore, #tpu.memory_space<semaphore_mem>>)
      %dma_wait3A = tpu.memref_slice %arg6[%multiple_of3A_35, %multiple_of3A] : memref<128x8192xf32, #tpu.memory_space<hbm>> -> memref<32x1024xf32, #tpu.memory_space<hbm>>
      %dma_wait3A_46 = tpu.memref_slice %arg6[%multiple_of3A_35, %multiple_of3A] : memref<128x8192xf32, #tpu.memory_space<hbm>> -> memref<32x1024xf32, #tpu.memory_space<hbm>>
      tpu.wait_dma2 semaphore(%run_scoped3A : memref<!tpu.dma_semaphore, #tpu.memory_space<semaphore_mem>>) src(%arg10 : memref<32x1024xf32, #tpu.memory_space<vmem>>) dst(%dma_wait3A_46 : memref<32x1024xf32, #tpu.memory_space<hbm>>)
      tpu.yield
    }) : () -> ()
    return
  }
}

module attributes {stable_mosaic.version = 14 : i64} {
  func.func @_tc_body(%arg0: i32, %arg1: memref<2048x3xf32, #tpu.memory_space<vmem>>, %arg2: memref<2048x128xf32, #tpu.memory_space<vmem>>, %arg3: memref<3x2048xf32, #tpu.memory_space<vmem>>, %arg4: memref<2048x256xf32, #tpu.memory_space<vmem>>, %arg5: memref<128x128xf32, #tpu.memory_space<vmem>>, %arg6: memref<128x1xf32, #tpu.memory_space<vmem>>, %arg7: memref<256x128xf32, #tpu.memory_space<vmem>>, %arg8: memref<128x1xf32, #tpu.memory_space<vmem>>, %arg9: memref<128x2048xf32, #tpu.memory_space<vmem>>, %arg10: memref<2048x3xi32, #tpu.memory_space<vmem>>, %arg11: memref<2048x3xf32, #tpu.memory_space<vmem>>, %arg12: memref<128x2048xf32, #tpu.memory_space<vmem>>) attributes {dimension_semantics = [#tpu.dimension_semantics<arbitrary>], iteration_bounds = array<i64: 4>, scalar_prefetch = 0 : i64, scratch_operands = 0 : i64, tpu.core_type = #tpu.core_type<tc>, window_params = [{transform_indices = @transform_0, window_bounds = array<i64: 2048, 3>}, {transform_indices = @transform_1, window_bounds = array<i64: 2048, 128>}, {pipeline_mode = #tpu.pipeline_mode<synchronous>, transform_indices = @transform_2, window_bounds = array<i64: 3, 2048>}, {pipeline_mode = #tpu.pipeline_mode<synchronous>, transform_indices = @transform_3, window_bounds = array<i64: 2048, 256>}, {pipeline_mode = #tpu.pipeline_mode<synchronous>, transform_indices = @transform_4, window_bounds = array<i64: 128, 128>}, {pipeline_mode = #tpu.pipeline_mode<synchronous>, transform_indices = @transform_5, window_bounds = array<i64: 128, 1>}, {pipeline_mode = #tpu.pipeline_mode<synchronous>, transform_indices = @transform_6, window_bounds = array<i64: 256, 128>}, {pipeline_mode = #tpu.pipeline_mode<synchronous>, transform_indices = @transform_7, window_bounds = array<i64: 128, 1>}, {transform_indices = @transform_8, window_bounds = array<i64: 128, 2048>}, {transform_indices = @transform_9, window_bounds = array<i64: 2048, 3>}, {transform_indices = @transform_10, window_bounds = array<i64: 2048, 3>}, {pipeline_mode = #tpu.pipeline_mode<synchronous>, transform_indices = @transform_11, window_bounds = array<i64: 128, 2048>}]} {
    %eq3A = arith.constant 0 : i32
    %eq3A_0 = arith.cmpi eq, %arg0, %eq3A : i32
    %convert_element_type3A = arith.extui %eq3A_0 : i1 to i32
    %cond3A = arith.constant 0 : i32
    %cond3A_1 = arith.cmpi ne, %convert_element_type3A, %cond3A : i32
    scf.if %cond3A_1 {
      %get3A_113 = arith.constant 0 : index
      %get3A_114 = arith.constant 0 : index
      %get3A_115 = vector.load %arg7[%get3A_113, %get3A_114] : memref<256x128xf32, #tpu.memory_space<vmem>>, vector<256x128xf32>
      %get3A_116 = arith.constant 0 : index
      %get3A_117 = arith.constant 0 : index
      %get3A_118 = vector.load %arg4[%get3A_116, %get3A_117] : memref<2048x256xf32, #tpu.memory_space<vmem>>, vector<2048x256xf32>
      %dot_general3A_119 = arith.constant dense<0.000000e+00> : vector<128x2048xf32>
      %dot_general3A_120 = tpu.matmul %get3A_115, %get3A_118, %dot_general3A_119 {dimension_numbers = #tpu.dot_dimension_numbers<[0], [1], [1], [0], [0, 1, 1, 0], [], []>, transpose_lhs_hint = false} : vector<256x128xf32>, vector<2048x256xf32>, vector<128x2048xf32> -> vector<128x2048xf32>
      %get3A_121 = arith.constant 0 : index
      %get3A_122 = arith.constant 0 : index
      %get3A_123 = vector.load %arg8[%get3A_121, %get3A_122] : memref<128x1xf32, #tpu.memory_space<vmem>>, vector<128x1xf32>
      %add3A_124 = vector.broadcast %get3A_123 : vector<128x1xf32> to vector<128x2048xf32>
      %add3A_125 = arith.addf %dot_general3A_120, %add3A_124 : vector<128x2048xf32>
      %swap3A_126 = arith.constant 0 : index
      %swap3A_127 = arith.constant 0 : index
      %swap3A_128 = vector.load %arg12[%swap3A_126, %swap3A_127] : memref<128x2048xf32, #tpu.memory_space<vmem>>, vector<128x2048xf32>
      tpu.vector_store %arg12[%swap3A_126, %swap3A_127], %add3A_125 {strides = array<i32>} : memref<128x2048xf32, #tpu.memory_space<vmem>>, vector<128x2048xf32>,
    } else {
    }
    %broadcast_in_dim3A = arith.constant 0.000000e+00 : f32
    %broadcast_in_dim3A_2 = vector.broadcast %broadcast_in_dim3A : f32 to vector<2048x2048xf32>
    %get3A = arith.constant 0 : index
    %get3A_3 = arith.constant 0 : index
    %get3A_4 = vector.load %arg1[%get3A, %get3A_3] : memref<2048x3xf32, #tpu.memory_space<vmem>>, vector<2048x1xf32>
    %get3A_5 = arith.constant 0 : index
    %get3A_6 = arith.constant 0 : index
    %get3A_7 = vector.load %arg3[%get3A_5, %get3A_6] : memref<3x2048xf32, #tpu.memory_space<vmem>>, vector<1x2048xf32>
    %sub3A = vector.broadcast %get3A_4 : vector<2048x1xf32> to vector<2048x2048xf32>
    %sub3A_8 = vector.broadcast %get3A_7 : vector<1x2048xf32> to vector<2048x2048xf32>
    %sub3A_9 = arith.subf %sub3A, %sub3A_8 : vector<2048x2048xf32>
    %mul3A = arith.mulf %sub3A_9, %sub3A_9 : vector<2048x2048xf32>
    %add3A = arith.addf %mul3A, %broadcast_in_dim3A_2 : vector<2048x2048xf32>
    %get3A_10 = arith.constant 0 : index
    %get3A_11 = arith.constant 1 : index
    %get3A_12 = vector.load %arg1[%get3A_10, %get3A_11] : memref<2048x3xf32, #tpu.memory_space<vmem>>, vector<2048x1xf32>
    %get3A_13 = arith.constant 1 : index
    %get3A_14 = arith.constant 0 : index
    %get3A_15 = vector.load %arg3[%get3A_13, %get3A_14] : memref<3x2048xf32, #tpu.memory_space<vmem>>, vector<1x2048xf32>
    %sub3A_16 = vector.broadcast %get3A_12 : vector<2048x1xf32> to vector<2048x2048xf32>
    %sub3A_17 = vector.broadcast %get3A_15 : vector<1x2048xf32> to vector<2048x2048xf32>
    %sub3A_18 = arith.subf %sub3A_16, %sub3A_17 : vector<2048x2048xf32>
    %mul3A_19 = arith.mulf %sub3A_18, %sub3A_18 : vector<2048x2048xf32>
    %add3A_20 = arith.addf %mul3A_19, %add3A : vector<2048x2048xf32>
    %get3A_21 = arith.constant 0 : index
    %get3A_22 = arith.constant 2 : index
    %get3A_23 = vector.load %arg1[%get3A_21, %get3A_22] : memref<2048x3xf32, #tpu.memory_space<vmem>>, vector<2048x1xf32>
    %get3A_24 = arith.constant 2 : index
    %get3A_25 = arith.constant 0 : index
    %get3A_26 = vector.load %arg3[%get3A_24, %get3A_25] : memref<3x2048xf32, #tpu.memory_space<vmem>>, vector<1x2048xf32>
    %sub3A_27 = vector.broadcast %get3A_23 : vector<2048x1xf32> to vector<2048x2048xf32>
    %sub3A_28 = vector.broadcast %get3A_26 : vector<1x2048xf32> to vector<2048x2048xf32>
    %sub3A_29 = arith.subf %sub3A_27, %sub3A_28 : vector<2048x2048xf32>
    %mul3A_30 = arith.mulf %sub3A_29, %sub3A_29 : vector<2048x2048xf32>
    %add3A_31 = arith.addf %mul3A_30, %add3A_20 : vector<2048x2048xf32>
    %iota3A = tpu.iota {dimensions = array<i32: 1>} : vector<2048x2048xi32>
    %convert_element_type3A_32 = arith.sitofp %iota3A : vector<2048x2048xi32> to vector<2048x2048xf32>
    %reduce_min3A = arith.constant dense<0x7F800000> : vector<2048xf32>
    %reduce_min3A_33 = vector.multi_reduction <minimumf>, %add3A_31, %reduce_min3A [1] : vector<2048x2048xf32> to vector<2048xf32>
    %broadcast_in_dim3A_34 = vector.shape_cast %reduce_min3A_33 : vector<2048xf32> to vector<2048x1xf32>
    %eq3A_35 = vector.broadcast %broadcast_in_dim3A_34 : vector<2048x1xf32> to vector<2048x2048xf32>
    %eq3A_36 = arith.cmpf oeq, %add3A_31, %eq3A_35 : vector<2048x2048xf32>
    %jit3A = arith.constant 2.048000e+03 : f32
    %broadcast_in_dim3A_37 = vector.broadcast %jit3A : f32 to vector<2048x2048xf32>
    %select_n3A = arith.select %eq3A_36, %convert_element_type3A_32, %broadcast_in_dim3A_37 : vector<2048x2048xi1>, vector<2048x2048xf32>
    %reduce_min3A_38 = arith.constant dense<0x7F800000> : vector<2048xf32>
    %reduce_min3A_39 = vector.multi_reduction <minimumf>, %select_n3A, %reduce_min3A_38 [1] : vector<2048x2048xf32> to vector<2048xf32>
    %broadcast_in_dim3A_40 = vector.shape_cast %reduce_min3A_39 : vector<2048xf32> to vector<2048x1xf32>
    %jit3A_41 = arith.constant 0x7F800000 : f32
    %broadcast_in_dim3A_42 = vector.broadcast %jit3A_41 : f32 to vector<2048x2048xf32>
    %select_n3A_43 = arith.select %eq3A_36, %broadcast_in_dim3A_42, %add3A_31 : vector<2048x2048xi1>, vector<2048x2048xf32>
    %reduce_min3A_44 = arith.constant dense<0x7F800000> : vector<2048xf32>
    %reduce_min3A_45 = vector.multi_reduction <minimumf>, %select_n3A_43, %reduce_min3A_44 [1] : vector<2048x2048xf32> to vector<2048xf32>
    %broadcast_in_dim3A_46 = vector.shape_cast %reduce_min3A_45 : vector<2048xf32> to vector<2048x1xf32>
    %eq3A_47 = vector.broadcast %broadcast_in_dim3A_46 : vector<2048x1xf32> to vector<2048x2048xf32>
    %eq3A_48 = arith.cmpf oeq, %select_n3A_43, %eq3A_47 : vector<2048x2048xf32>
    %jit3A_49 = arith.constant 2.048000e+03 : f32
    %broadcast_in_dim3A_50 = vector.broadcast %jit3A_49 : f32 to vector<2048x2048xf32>
    %select_n3A_51 = arith.select %eq3A_48, %convert_element_type3A_32, %broadcast_in_dim3A_50 : vector<2048x2048xi1>, vector<2048x2048xf32>
    %reduce_min3A_52 = arith.constant dense<0x7F800000> : vector<2048xf32>
    %reduce_min3A_53 = vector.multi_reduction <minimumf>, %select_n3A_51, %reduce_min3A_52 [1] : vector<2048x2048xf32> to vector<2048xf32>
    %broadcast_in_dim3A_54 = vector.shape_cast %reduce_min3A_53 : vector<2048xf32> to vector<2048x1xf32>
    %jit3A_55 = arith.constant 0x7F800000 : f32
    %broadcast_in_dim3A_56 = vector.broadcast %jit3A_55 : f32 to vector<2048x2048xf32>
    %select_n3A_57 = arith.select %eq3A_48, %broadcast_in_dim3A_56, %select_n3A_43 : vector<2048x2048xi1>, vector<2048x2048xf32>
    %reduce_min3A_58 = arith.constant dense<0x7F800000> : vector<2048xf32>
    %reduce_min3A_59 = vector.multi_reduction <minimumf>, %select_n3A_57, %reduce_min3A_58 [1] : vector<2048x2048xf32> to vector<2048xf32>
    %broadcast_in_dim3A_60 = vector.shape_cast %reduce_min3A_59 : vector<2048xf32> to vector<2048x1xf32>
    %eq3A_61 = vector.broadcast %broadcast_in_dim3A_60 : vector<2048x1xf32> to vector<2048x2048xf32>
    %eq3A_62 = arith.cmpf oeq, %select_n3A_57, %eq3A_61 : vector<2048x2048xf32>
    %jit3A_63 = arith.constant 2.048000e+03 : f32
    %broadcast_in_dim3A_64 = vector.broadcast %jit3A_63 : f32 to vector<2048x2048xf32>
    %select_n3A_65 = arith.select %eq3A_62, %convert_element_type3A_32, %broadcast_in_dim3A_64 : vector<2048x2048xi1>, vector<2048x2048xf32>
    %reduce_min3A_66 = arith.constant dense<0x7F800000> : vector<2048xf32>
    %reduce_min3A_67 = vector.multi_reduction <minimumf>, %select_n3A_65, %reduce_min3A_66 [1] : vector<2048x2048xf32> to vector<2048xf32>
    %broadcast_in_dim3A_68 = vector.shape_cast %reduce_min3A_67 : vector<2048xf32> to vector<2048x1xf32>
    %add3A_69 = arith.constant 9.99999993E-9 : f32
    %add3A_70 = vector.broadcast %add3A_69 : f32 to vector<2048x1xf32>
    %add3A_71 = arith.addf %broadcast_in_dim3A_34, %add3A_70 : vector<2048x1xf32>
    %div3A = arith.constant 1.000000e+00 : f32
    %div3A_72 = vector.broadcast %div3A : f32 to vector<2048x1xf32>
    %div3A_73 = arith.divf %div3A_72, %add3A_71 : vector<2048x1xf32>
    %add3A_74 = arith.constant 9.99999993E-9 : f32
    %add3A_75 = vector.broadcast %add3A_74 : f32 to vector<2048x1xf32>
    %add3A_76 = arith.addf %broadcast_in_dim3A_46, %add3A_75 : vector<2048x1xf32>
    %div3A_77 = arith.constant 1.000000e+00 : f32
    %div3A_78 = vector.broadcast %div3A_77 : f32 to vector<2048x1xf32>
    %div3A_79 = arith.divf %div3A_78, %add3A_76 : vector<2048x1xf32>
    %add3A_80 = arith.constant 9.99999993E-9 : f32
    %add3A_81 = vector.broadcast %add3A_80 : f32 to vector<2048x1xf32>
    %add3A_82 = arith.addf %broadcast_in_dim3A_60, %add3A_81 : vector<2048x1xf32>
    %div3A_83 = arith.constant 1.000000e+00 : f32
    %div3A_84 = vector.broadcast %div3A_83 : f32 to vector<2048x1xf32>
    %div3A_85 = arith.divf %div3A_84, %add3A_82 : vector<2048x1xf32>
    %add3A_86 = arith.addf %div3A_73, %div3A_79 : vector<2048x1xf32>
    %add3A_87 = arith.addf %add3A_86, %div3A_85 : vector<2048x1xf32>
    %div3A_88 = arith.divf %div3A_73, %add3A_87 : vector<2048x1xf32>
    %div3A_89 = arith.divf %div3A_79, %add3A_87 : vector<2048x1xf32>
    %div3A_90 = arith.divf %div3A_85, %add3A_87 : vector<2048x1xf32>
    %concatenate3A = tpu.concatenate %broadcast_in_dim3A_40, %broadcast_in_dim3A_54, %broadcast_in_dim3A_68 in 1 : vector<2048x1xf32>, vector<2048x1xf32>, vector<2048x1xf32> -> vector<2048x3xf32>
    %convert_element_type3A_91 = arith.fptosi %concatenate3A : vector<2048x3xf32> to vector<2048x3xi32>
    %swap3A = arith.constant 0 : index
    %swap3A_92 = arith.constant 0 : index
    %swap3A_93 = vector.load %arg10[%swap3A, %swap3A_92] : memref<2048x3xi32, #tpu.memory_space<vmem>>, vector<2048x3xi32>
    tpu.vector_store %arg10[%swap3A, %swap3A_92], %convert_element_type3A_91 {strides = array<i32>} : memref<2048x3xi32, #tpu.memory_space<vmem>>, vector<2048x3xi32>,
    %concatenate3A_94 = tpu.concatenate %div3A_88, %div3A_89, %div3A_90 in 1 : vector<2048x1xf32>, vector<2048x1xf32>, vector<2048x1xf32> -> vector<2048x3xf32>
    %swap3A_95 = arith.constant 0 : index
    %swap3A_96 = arith.constant 0 : index
    %swap3A_97 = vector.load %arg11[%swap3A_95, %swap3A_96] : memref<2048x3xf32, #tpu.memory_space<vmem>>, vector<2048x3xf32>
    tpu.vector_store %arg11[%swap3A_95, %swap3A_96], %concatenate3A_94 {strides = array<i32>} : memref<2048x3xf32, #tpu.memory_space<vmem>>, vector<2048x3xf32>,
    %get3A_98 = arith.constant 0 : index
    %get3A_99 = arith.constant 0 : index
    %get3A_100 = vector.load %arg5[%get3A_98, %get3A_99] : memref<128x128xf32, #tpu.memory_space<vmem>>, vector<128x128xf32>
    %get3A_101 = arith.constant 0 : index
    %get3A_102 = arith.constant 0 : index
    %get3A_103 = vector.load %arg2[%get3A_101, %get3A_102] : memref<2048x128xf32, #tpu.memory_space<vmem>>, vector<2048x128xf32>
    %dot_general3A = arith.constant dense<0.000000e+00> : vector<128x2048xf32>
    %dot_general3A_104 = tpu.matmul %get3A_100, %get3A_103, %dot_general3A {dimension_numbers = #tpu.dot_dimension_numbers<[0], [1], [1], [0], [0, 1, 1, 0], [], []>, transpose_lhs_hint = false} : vector<128x128xf32>, vector<2048x128xf32>, vector<128x2048xf32> -> vector<128x2048xf32>
    %get3A_105 = arith.constant 0 : index
    %get3A_106 = arith.constant 0 : index
    %get3A_107 = vector.load %arg6[%get3A_105, %get3A_106] : memref<128x1xf32, #tpu.memory_space<vmem>>, vector<128x1xf32>
    %add3A_108 = vector.broadcast %get3A_107 : vector<128x1xf32> to vector<128x2048xf32>
    %add3A_109 = arith.addf %dot_general3A_104, %add3A_108 : vector<128x2048xf32>
    %swap3A_110 = arith.constant 0 : index
    %swap3A_111 = arith.constant 0 : index
    %swap3A_112 = vector.load %arg9[%swap3A_110, %swap3A_111] : memref<128x2048xf32, #tpu.memory_space<vmem>>, vector<128x2048xf32>
    tpu.vector_store %arg9[%swap3A_110, %swap3A_111], %add3A_109 {strides = array<i32>} : memref<128x2048xf32, #tpu.memory_space<vmem>>, vector<128x2048xf32>,
    return
  }
  func.func @transform_0(%arg0: i32) -> (i32, i32) {
    %c0_i32 = arith.constant 0 : i32
    %c0_i32_0 = arith.constant 0 : i32
    return %arg0, %c0_i32 : i32, i32
  }
  func.func @transform_1(%arg0: i32) -> (i32, i32) {
    %c0_i32 = arith.constant 0 : i32
    %c0_i32_0 = arith.constant 0 : i32
    return %arg0, %c0_i32 : i32, i32
  }
  func.func @transform_2(%arg0: i32) -> (i32, i32) {
    %c0_i32 = arith.constant 0 : i32
    %c0_i32_0 = arith.constant 0 : i32
    %c0_i32_1 = arith.constant 0 : i32
    return %c0_i32, %c0_i32_0 : i32, i32
  }
  func.func @transform_3(%arg0: i32) -> (i32, i32) {
    %c0_i32 = arith.constant 0 : i32
    %c0_i32_0 = arith.constant 0 : i32
    %c0_i32_1 = arith.constant 0 : i32
    return %c0_i32, %c0_i32_0 : i32, i32
  }
  func.func @transform_4(%arg0: i32) -> (i32, i32) {
    %c0_i32 = arith.constant 0 : i32
    %c0_i32_0 = arith.constant 0 : i32
    %c0_i32_1 = arith.constant 0 : i32
    return %c0_i32, %c0_i32_0 : i32, i32
  }
  func.func @transform_5(%arg0: i32) -> (i32, i32) {
    %c0_i32 = arith.constant 0 : i32
    %c0_i32_0 = arith.constant 0 : i32
    %c0_i32_1 = arith.constant 0 : i32
    return %c0_i32, %c0_i32_0 : i32, i32
  }
  func.func @transform_6(%arg0: i32) -> (i32, i32) {
    %c0_i32 = arith.constant 0 : i32
    %c0_i32_0 = arith.constant 0 : i32
    %c0_i32_1 = arith.constant 0 : i32
    return %c0_i32, %c0_i32_0 : i32, i32
  }
  func.func @transform_7(%arg0: i32) -> (i32, i32) {
    %c0_i32 = arith.constant 0 : i32
    %c0_i32_0 = arith.constant 0 : i32
    %c0_i32_1 = arith.constant 0 : i32
    return %c0_i32, %c0_i32_0 : i32, i32
  }
  func.func @transform_8(%arg0: i32) -> (i32, i32) {
    %c0_i32 = arith.constant 0 : i32
    %c0_i32_0 = arith.constant 0 : i32
    return %c0_i32, %arg0 : i32, i32
  }
  func.func @transform_9(%arg0: i32) -> (i32, i32) {
    %c0_i32 = arith.constant 0 : i32
    %c0_i32_0 = arith.constant 0 : i32
    return %arg0, %c0_i32 : i32, i32
  }
  func.func @transform_10(%arg0: i32) -> (i32, i32) {
    %c0_i32 = arith.constant 0 : i32
    %c0_i32_0 = arith.constant 0 : i32
    return %arg0, %c0_i32 : i32, i32
  }
  func.func @transform_11(%arg0: i32) -> (i32, i32) {
    %c0_i32 = arith.constant 0 : i32
    %c0_i32_0 = arith.constant 0 : i32
    %c0_i32_1 = arith.constant 0 : i32
    return %c0_i32, %c0_i32_0 : i32, i32
  }
}

</mosaic_0001>

<sc_bundles>
// kernel: kernel.4.cloned.1.call-start
scs
__scs_entry_jumppad:
0x0: {  	(pc) =	sbr.rel $0x88, $3  }
0x1: {  	(tag) =	ssettag $0x0;
	lr =	simm.s32 $0x1  }
0x2: {  	[smem:$0x3F99] =	sst lr;
	_ =	strace $0xD0000000  }
0x3: {  	_ = 	snop  }
0x4: {  	_ = 	snop  }
0x5: {  	_ = 	snop  }
0x6: {  	_ = 	snop  }
0x7: {  	_ = 	snop  }
__scs_overlays_trampoline_lowered:
0x8: {  	[smem:$0x3FA8] =	sst s0  }
0x9: {  	[smem:$0x3FA9] =	sst s1  }
0xa: {  	[smem:$0x3FAA] =	sst s2  }
0xb: {  	[smem:$0x3FAB] =	sst s3  }
0xc: {  	[smem:$0x3FAC] =	sst s4  }
0xd: {  	[smem:$0x3FAD] =	sst s5  }
0xe: {  	[smem:$0x3FAE] =	sst s6  }
0xf: {  	[smem:$0x3FAF] =	sst s7  }
0x10: {  	[smem:$0x3FB0] =	sst s8  }
0x11: {  	[smem:$0x3FB1] =	sst s9;
	s0 =	simm.s32 @!p0 $0x0  }
0x12: {  	s1 =	sld [smem:$0x3F97];
	s0 =	simm.s32 @p0 $0x1  }
0x13: {  	[smem:$0x3FB2] =	sst s0;
	s0 =	simm.s32 @!p1 $0x0  }
0x14: {  	s2 =	sld [smem:$0x3F96];
	s0 =	simm.s32 @p1 $0x1  }
0x15: {  	[smem:$0x3FB3] =	sst s0;
	s0 =	simm.s32 @!p2 $0x0  }
0x16: {  	s3 =	sld [smem:$0x3FDB];
	s0 =	simm.s32 @p2 $0x1  }
0x17: {  	s4 =	simm.s32 $0x1BF5;
	[smem:$0x3FB5] =	sst s0  }
0x18: {  	s0 =	sld [smem:$0x3F98];
	_ =	swait.ge [sflag:s4], $0x0  }
0x19: {  	s7 =	sld [smem:$0x3F99]  }
0x1a: {  	s8 =	sadd.s32 $0xFFFFE003, lr  }
0x1b: {  	s9 =	sadd.s32 $0xFFFFFEF7, lr;
	s5 =	simm.s32 $0xFFFFFFFF;
	p2 =	slt.u32 s8, $0xFFFFF086  }
0x1c: {  	p1 =	slt.u32 s9, $0xF7A;
	s5 =	simm.s32 @!p2 $0x0  }
0x1d: {  	s5 =	simm.s32 @p1 $0x1;
	p0 =	seq.s32 s7, s2  }
0x1e: {  	s7 =	smul.u32 @!p0 $0xF7A, s2;
	p2 =	seq.s32 @!p0 s5, $0x0  }
0x1f: {  	s9 =	smul.u32 $0xF7A, s1;
	s8 =	simm.s32 @!p0 $0x1BF5;
	p2 =	por !p2, p0  }
0x20: {  	[sflag:s8] =	ssyncset.s32 @!p0 $0xFFFFF086;
	s6 =	sadd.s32 @!p0 s3, s7;
	s7 =	simm.s32 @!p0 $0x108  }
0x21: {  	s3 =	sadd.s32 s3, s9;
	s6 =	sadd.s32 @!p0 $0x88, s6;
	s7 =	simm.s32 @p2 $0x1082  }
0x22: {  	[simem:s7], [sflag:s8] =	dma.local @!p0 [hbm:s6], $0xF7A  }
0x23: {  	s9 =	sor.u32 $0xD0000000, s2;
	s6 =	simm.s32 $0x108;
	_ =	swait.ge @!p0 [sflag:s8], $0x0  }
0x24: {  	s3 =	sadd.s32 $0x88, s3;
	s6 =	simm.s32 @!p1 $0x1082;
	[sflag:s4] =	ssyncset.s32 $0xFFFFF086  }
0x25: {  	[simem:s6], [sflag:s4] =	dma.local [hbm:s3], $0xF7A  }
0x26: {  	[smem:$0x3F99] =	sst s1;
	(tag) =	ssettag s2;
	_ =	strace s9  }
0x27: {  	s1 =	sld [smem:$0x3FA9]  }
0x28: {  	s2 =	sld [smem:$0x3FAA]  }
0x29: {  	s4 =	sld [smem:$0x3FAC]  }
0x2a: {  	p0 =	seq.s32 s5, $0x0;
	s5 =	sld [smem:$0x3FAD]  }
0x2b: {  	s6 =	sld [smem:$0x3FAE]  }
0x2c: {  	s7 =	sld [smem:$0x3FAF]  }
0x2d: {  	s3 =	simm.s32 $0x108;
	s8 =	sld [smem:$0x3FB0]  }
0x2e: {  	s3 =	simm.s32 @!p0 $0x1082;
	s9 =	sld [smem:$0x3FB1]  }
0x2f: {  	lr =	sadd.s32 s0, s3;
	s0 =	sld [smem:$0x3FA8]  }
0x30: {  	s3 =	sld [smem:$0x3FAB]  }
0x31: {  	[smem:$0x3FB4] =	sst s10  }
0x32: {  	s10 =	sld [smem:$0x3FB2];
	_ =	sdelay $0x3  }
0x33: {  	p0 =	seq.s32 s10, $0x1;
	s10 =	sld [smem:$0x3FB4];
	_ =	sdelay $0x3  }
0x34: {  	[smem:$0x3FB4] =	sst s10  }
0x35: {  	s10 =	sld [smem:$0x3FB3];
	_ =	sdelay $0x3  }
0x36: {  	p1 =	seq.s32 s10, $0x1;
	s10 =	sld [smem:$0x3FB4];
	_ =	sdelay $0x3  }
0x37: {  	[smem:$0x3FB4] =	sst s10  }
0x38: {  	s10 =	sld [smem:$0x3FB5]  }
0x39: {  	_ = 	snop;
	(pc) =	sbr.ind lr, $3  }
0x3a: {  	_ = 	snop  }
0x3b: {  	_ = 	snop  }
0x3c: {  	p2 =	seq.s32 s10, $0x1;
	s10 =	sld [smem:$0x3FB4]  }
0x3d: {  	_ =	shalt  }
0x3e: {  	_ =	shalt  }
0x3f: {  	_ =	shalt  }
0x40: {  	_ =	shalt  }
0x41: {  	_ =	shalt  }
0x42: {  	_ =	shalt  }
0x43: {  	_ =	shalt  }
0x44: {  	_ =	shalt  }
0x45: {  	_ =	shalt  }
0x46: {  	_ =	shalt  }
0x47: {  	_ =	shalt  }
0x48: {  	_ =	shalt  }
0x49: {  	_ =	shalt  }
0x4a: {  	_ =	shalt  }
0x4b: {  	_ =	shalt  }
0x4c: {  	_ =	shalt  }
0x4d: {  	_ =	shalt  }
0x4e: {  	_ =	shalt  }
0x4f: {  	_ =	shalt  }
0x50: {  	_ =	shalt  }
0x51: {  	_ =	shalt  }
0x52: {  	_ =	shalt  }
0x53: {  	_ =	shalt  }
0x54: {  	_ =	shalt  }
0x55: {  	_ =	shalt  }
0x56: {  	_ =	shalt  }
0x57: {  	_ =	shalt  }
0x58: {  	_ =	shalt  }
0x59: {  	_ =	shalt  }
0x5a: {  	_ =	shalt  }
0x5b: {  	_ =	shalt  }
0x5c: {  	_ =	shalt  }
0x5d: {  	_ =	shalt  }
0x5e: {  	_ =	shalt  }
0x5f: {  	_ =	shalt  }
0x60: {  	_ =	shalt  }
0x61: {  	_ =	shalt  }
0x62: {  	_ =	shalt  }
0x63: {  	_ =	shalt  }
0x64: {  	_ =	shalt  }
0x65: {  	_ =	shalt  }
0x66: {  	_ =	shalt  }
0x67: {  	_ =	shalt  }
0x68: {  	_ =	shalt  }
0x69: {  	_ =	shalt  }
0x6a: {  	_ =	shalt  }
0x6b: {  	_ =	shalt  }
0x6c: {  	_ =	shalt  }
0x6d: {  	_ =	shalt  }
0x6e: {  	_ =	shalt  }
0x6f: {  	_ =	shalt  }
0x70: {  	_ =	shalt  }
0x71: {  	_ =	shalt  }
0x72: {  	_ =	shalt  }
0x73: {  	_ =	shalt  }
0x74: {  	_ =	shalt  }
0x75: {  	_ =	shalt  }
0x76: {  	_ =	shalt  }
0x77: {  	_ =	shalt  }
0x78: {  	_ =	shalt  }
0x79: {  	_ =	shalt  }
0x7a: {  	_ =	shalt  }
0x7b: {  	_ =	shalt  }
0x7c: {  	_ =	shalt  }
0x7d: {  	_ =	shalt  }
0x7e: {  	_ =	shalt  }
0x7f: {  	_ =	shalt  }
0x80: {  	_ =	shalt  }
0x81: {  	_ =	shalt  }
0x82: {  	_ =	shalt  }
0x83: {  	_ =	shalt  }
0x84: {  	_ =	shalt  }
0x85: {  	_ =	shalt  }
0x86: {  	_ =	shalt  }
0x87: {  	_ =	shalt  }
.Lfunc_end0:
.L_simem_size_0:
called_computation_lowered:
.L_overlay_start_0:
0x88: {  	s2 =	sld [smem:$0x3FD9]  }
0x89: {  	s3 =	sld [smem:$0x3FFE];
	_ =	sdelay $0x1  }
0x8a: {  	s1 =	srdreg.scid  }
0x8b: {  	s0 =	sand.u32 $0x1, s1  }
0x8c: {  	s17 =	sshll.u32 s0, $0xA;
	s2 =	sadd.s32 s3, s2  }
0x8d: {  	s2 =	sadd.s32 s2, s17  }
0x8e: {  	[smem:$0x3FC0] =	sst s2  }
0x8f: {  	_ = 	snop  }
0x90: {  	s2 =	sld [smem:$0x3FD0];
	(tm) =	ssettm $0x1  }
0x91: {  	s18 =	sld [smem:$0x3FFB];
	_ =	sdelay $0x3  }
0x92: {  	_ =	strace s18  }
0x93: {  	s3 =	sld [smem:$0x3FFC];
	_ =	sdelay $0x3  }
0x94: {  	_ =	strace s3  }
0x95: {  	s3 =	sld [smem:$0x3FFD];
	_ =	sdelay $0x3  }
0x96: {  	_ =	strace s3  }
0x97: {  	_ =	strace $0x8FFFFFFF  }
0x98: {  	s19 =	sld [smem:$0x3FDB];
	_ =	sdelay $0x1  }
0x99: {  	s4 =	simm.s32 $_scs_section_size  }
0x9a: {  	s5 =	simm.s32 $_size__tile_overlayer_lowered;
	s6 =	simm.s32 $_tile_overlayer_lowered  }
0x9b: {  	s22 =	simm.s32 $0x1BFF;
	s21 =	sshll.u32 s6, $0x1;
	s3 =	sadd.s32 s4, s19  }
0x9c: {  	s7 =	simm.s32 $0x0;
	s20 =	sshll.u32 s5, $0x1;
	s5 =	sadd.s32 s21, s3  }
0x9d: {  	[timem:s7], [sflag:s22] =	dma.local [hbm:s5], s20  }
0x9e: {  	_ =	swait.ge [sflag:s22], s20  }
0x9f: {  	s4 =	ssub.s32 $0x0, s20;
	[sflag:s22] =	ssyncset.done $0x0  }
0xa0: {  	[sflag:s22] =	ssyncadd.s32 s4;
	_ =	sdelay $0x1  }
0xa1: {  	s23 =	simm.s32 $0x1B8B  }
0xa2: {  	_ =	swait.ge [sflag:s23], $0x1  }
0xa3: {  	[sflag:s23] =	ssyncset.done $0x0  }
0xa4: {  	s25 =	simm.s32 $0x1B8E;
	s24 =	sld [smem:$0x3FFE];
	[sflag:s23] =	ssyncadd.s32 $0xFFFFFFFF  }
0xa5: {  	s26 =	simm.s32 $execute0_lowered;
	[smem:$0x3FD2] =	sst s25  }
0xa6: {  	s5 =	sshll.u32 s26, $0x1;
	_ =	strace $0x80000046;
	[dreg:$0x1] =	wrdreg $0xFFFFFFFF  }
0xa7: {  	s28 =	simm.s32 $_size_execute0_lowered;
	s3 =	sadd.s32 s3, s5;
	[dreg:$0x0] =	wrdreg $0x0  }
0xa8: {  	s5 =	sshll.u32 s28, $0x1;
	[dreg:$0x2] =	wrdreg s3  }
0xa9: {  	[dreg:$0x3] =	wrdreg s5  }
0xaa: {  	[dreg:$0x4] =	wrdreg $0xC0  }
0xab: {  	_ =	task [dreg:s7], $0x5FFFF  }
0xac: {  	[dreg:$0x1] =	wrdreg $0xFFFFFFFF  }
0xad: {  	[dreg:$0x0] =	wrdreg $0x60  }
0xae: {  	[dreg:$0x2] =	wrdreg s24  }
0xaf: {  	[dreg:$0x3] =	wrdreg s2  }
0xb0: {  	[dreg:$0x4] =	wrdreg $0x9  }
0xb1: {  	_ =	task.clear_ibuf [dreg:s7], $0x5FFFF;
	_ =	strace $0x90000046  }
0xb2: {  	s29 =	simm.s32 $0x9;
	_ =	strace $0x80000048  }
0xb3: {  	_ =	swait.ge [sflag:s29], $0x1  }
0xb4: {  	[sflag:s29] =	ssyncadd.s32 $0xFFFFFFFF  }
0xb5: {  	_ =	strace $0x90000048  }
0xb6: {  	_ =	sfence  }
0xb7: {  	s30 =	sld [smem:$0x0];
	_ =	sdelay $0x2  }
0xb8: {  	s31 =	sshll.u32 s1, $0xD;
	s1 =	sshrl.u32 s1, $0x2  }
0xb9: {  	s3 =	sand.u32 $0x4000, s31;
	s1 =	sadd.s32 s1, s30  }
0xba: {  	s0 =	sor.u32 s3, s0;
	s1 =	sshll.u32 s1, $0x11  }
0xbb: {  	s0 =	sor.u32 s1, s0  }
0xbc: {  	s0 =	sadd.s32 $0x8F2B, s0  }
0xbd: {  	[sflag:s0] =	ssyncadd.remote.s32 $0x1  }
0xbe: {  	_ =	sfence.sel $0xFFFF  }
0xbf: {  	[dreg:$0x0] =	wrdreg $0xFFFFFFFF;
	(pc) =	sbr.abs _section_cstart, $3  }
0xc0: {  	[dreg:$0x1] =	wrdreg $0xFFFFFFFF  }
0xc1: {  	_ =	task.clear_ibuf [dreg:s7], $0x2FFFF;
	_ =	strace $0x9FFFFFFF  }
0xc2: {  	(tm) =	ssettm $0x7FFFFFFF  }
0xc3: {  	_ =	shalt  }
tec
execute0_lowered:
.L_overlay_start_1:
0x0: {  	(tag) =	ssettag $0x1  }
0x1: {  	s3 =	rddreg [dreg:$0x0]  }
0x2: {  	s6 =	rddreg [dreg:$0x1]  }
0x3: {  	s0 =	rddreg [dreg:$0x2];
	s2 =	simm.s32 $0x0  }
0x4: {  	s1 =	stileid.u32;
	s5 =	srdreg.scid;
	s12 =	simm.s32 $0x2000  }
0x5: {  	s13 =	simm.s32 $0x10000;
	s14 =	simm.s32 $0x11800;
	s15 =	simm.s32 $0x0  }
0x6: {  	s4 =	sshrl.u32 s1, $0x1;
	s7 =	sshll.u32 s1, $0x1;
	s5 =	sand.u32 $0x1, s5  }
0x7: {  	[smem:$0x7FF] =	sst s2;
	s8 =	smul.u32 $0x180, s4;
	s7 =	sand.u32 $0x2, s7  }
0x8: {  	_ =	strace $0x80000047;
	s4 =	sshll.u32 s4, $0xA;
	s7 =	sor.u32 s5, s7  }
0x9: {  	s5 =	ssub.s32 $0x2, s5;
	s8 =	sadd.s32 s8, s3;
	s9 =	sshll.u32 s7, $0xD  }
0xa: {  	s7 =	sshll.u32 s7, $0xF;
	s31 =	sshrl.u32 s5, $0x1;
	s9 =	sadd.s32 s9, s3  }
0xb: {  	s7 =	sor.u32 s4, s7;
	s11 =	ssub.s32 s5, s31;
	s4 =	sadd.s32 $0x9E00, s8  }
0xc: {  	s10 =	sadd.s32 s7, s3;
	s3 =	sadd.s32 $0x9200, s8;
	s5 =	sadd.s32 $0x1200, s9  }
0xd: {  	s6 =	sadd.s32 s6, s7;
	s8 =	smax.u32 s11, $0x1;
	s9 =	simm.s32 $0x1  }
0xe: {  	v0 =	vlaneseq.u32;
	s11 =	simm.s32 $0x1800;
	s7 =	sadd.s32 $0xAA00, s10;
	s10 =	simm.s32 $0xC00  }
.LBB2_1:
0xf: {  	[tilespmem:s2], [sflag:$0x1] =	stream.linear.gather [hbm4b:s3+s2], $0xC00, $0x38;
	[tilespmem:$0x19800] =	vst v63  }
0x10: {  	_ =	swait.ge [sflag:s9], $0xC00  }
0x11: {  	[sflag:s9] =	ssyncset.done $0x0  }
0x12: {  	[sflag:s9] =	ssyncadd.s32 $0xFFFFF400  }
0x13: {  	[tilespmem:s10], [sflag:$0x1] =	stream.linear.gather [hbm4b:s4+s2], $0xC00, $0x38;
	[tilespmem:$0x19800] =	vst v63  }
0x14: {  	_ =	swait.ge [sflag:s9], $0xC00  }
0x15: {  	[sflag:s9] =	ssyncset.done $0x0  }
0x16: {  	[sflag:s9] =	ssyncadd.s32 $0xFFFFF400  }
0x17: {  	[tilespmem:s11], [sflag:$0x1] =	stream.linear.gather [hbm4b:s5+s2], $0x10000, $0x38;
	[tilespmem:$0x19800] =	vst v63  }
0x18: {  	_ =	swait.ge [sflag:s9], $0x10000  }
0x19: {  	[sflag:s9] =	ssyncset.done $0x0  }
0x1a: {  	[sflag:s9] =	ssyncadd.s32 $0xFFFF0000  }
0x1b: {  	[tilespmem:s14], [sflag:$0x1] =	stream.strided.gather [hbm4b:s6+s12], $0x8000, s13, s12, $0x38;
	[tilespmem:$0x19800] =	vst v63  }
0x1c: {  	_ =	swait.ge [sflag:s9], $0x8000  }
0x1d: {  	[sflag:s9] =	ssyncset.done $0x0  }
0x1e: {  	s16 =	simm.s32 $0x0;
	[sflag:s9] =	ssyncadd.s32 $0xFFFF8000  }
.LBB2_2:
0x1f: {  	v7 =	vor.u32 s16, v0  }
0x20: {  	v1 =	vmul.u32 $0x3, v7;
	_ =	sdelay $0x1  }
0x21: {  	v2 =	vadd.s32 $0x1, v1;
	_ =	sdelay $0x1  }
0x22: {  	v3 =	vadd.s32 $0x2, v1;
	_ =	sdelay $0x1  }
0x23: {  	v4 =	vld.idx.msk [tilespmem:v1+s2+$0x0], $0xffff  }
0x24: {  	v5 =	vld.idx.msk [tilespmem:v2+s2+$0x0], $0xffff;
	_ =	sdelay $0x1  }
0x25: {  	v6 =	vld.idx.msk [tilespmem:v3+s2+$0x0], $0xffff;
	_ =	sdelay $0x1  }
0x26: {  	v8 =	vshll.u32 v4, $0x3  }
0x27: {  	v4 =	vand.u32 $0x7F, v4;
	v8 =	vand.u32 $0xFFFFFC00, v8;
	v9 =	vshll.u32 v5, $0x3  }
0x28: {  	v5 =	vand.u32 $0x7F, v5;
	v4 =	vor.u32 v4, v8;
	v57 =	vand.u32 $0xFFFFFC00, v9  }
0x29: {  	v58 =	vshll.u32 v6, $0x3;
	v5 =	vor.u32 v5, v57  }
0x2a: {  	v6 =	vand.u32 $0x7F, v6;
	v8 =	vand.u32 $0xFFFFFC00, v58  }
0x2b: {  	v1 =	vld.idx.msk [tilespmem:v1+s10+$0x0], $0xffff;
	v6 =	vor.u32 v6, v8  }
0x2c: {  	v2 =	vld.idx.msk [tilespmem:v2+s10+$0x0], $0xffff  }
0x2d: {  	v59 =	vld.idx.msk [tilespmem:v4+s11+$0x0], $0xffff  }
0x2e: {  	v60 =	vld.idx.msk [tilespmem:v5+s11+$0x0], $0xffff  }
0x2f: {  	v3 =	vld.idx.msk [tilespmem:v3+s10+$0x0], $0xffff  }
0x30: {  	v10 =	vld.idx.msk [tilespmem:v6+s11+$0x0], $0xffff  }
0x31: {  	v11 =	vmov s16  }
0x32: {  	v11 =	vshll.u32 v11, $0x3;
	v12 =	vand.u32 $0x7F, v7  }
0x33: {  	v61 =	vand.u32 $0x1C00, v11;
	v8 =	vmul.f32 v59, v1;
	v9 =	vmul.f32 v60, v2  }
0x34: {  	v7 =	vor.u32 v12, v61  }
0x35: {  	v63 =	vor.u32 $0x80, v4;
	v62 =	vmul.f32 v10, v3;
	v8 =	vadd.f32 v9, v8  }
0x36: {  	v13 =	vor.u32 $0x80, v5  }
0x37: {  	v8 =	vadd.f32 v62, v8  }
0x38: {  	v16 =	vor.u32 $0x80, v6  }
0x39: {  	[tilespmem:v7+s14+$0x0] =	vst.idx.add.f32.msk $0xffff, v8  }
0x3a: {  	v8 =	vld.idx.msk [tilespmem:v63+s11+$0x0], $0xffff  }
0x3b: {  	v17 =	vld.idx.msk [tilespmem:v13+s11+$0x0], $0xffff;
	_ =	sdelay $0x1  }
0x3c: {  	v9 =	vld.idx.msk [tilespmem:v16+s11+$0x0], $0xffff;
	_ =	sdelay $0x2  }
0x3d: {  	v8 =	vmul.f32 v8, v1;
	v10 =	vmul.f32 v17, v2  }
0x3e: {  	v18 =	vor.u32 $0x80, v7  }
0x3f: {  	v19 =	vor.u32 $0x100, v4;
	v9 =	vmul.f32 v9, v3;
	v8 =	vadd.f32 v10, v8  }
0x40: {  	v14 =	vor.u32 $0x100, v5  }
0x41: {  	v8 =	vadd.f32 v9, v8  }
0x42: {  	v20 =	vor.u32 $0x100, v6  }
0x43: {  	[tilespmem:v18+s14+$0x0] =	vst.idx.add.f32.msk $0xffff, v8  }
0x44: {  	v8 =	vld.idx.msk [tilespmem:v19+s11+$0x0], $0xffff  }
0x45: {  	v21 =	vld.idx.msk [tilespmem:v14+s11+$0x0], $0xffff;
	_ =	sdelay $0x1  }
0x46: {  	v9 =	vld.idx.msk [tilespmem:v20+s11+$0x0], $0xffff;
	_ =	sdelay $0x2  }
0x47: {  	v8 =	vmul.f32 v8, v1;
	v10 =	vmul.f32 v21, v2  }
0x48: {  	v22 =	vor.u32 $0x100, v7  }
0x49: {  	v23 =	vor.u32 $0x180, v4;
	v9 =	vmul.f32 v9, v3;
	v8 =	vadd.f32 v10, v8  }
0x4a: {  	v24 =	vor.u32 $0x180, v5  }
0x4b: {  	v8 =	vadd.f32 v9, v8  }
0x4c: {  	v25 =	vor.u32 $0x180, v6  }
0x4d: {  	[tilespmem:v22+s14+$0x0] =	vst.idx.add.f32.msk $0xffff, v8  }
0x4e: {  	v8 =	vld.idx.msk [tilespmem:v23+s11+$0x0], $0xffff  }
0x4f: {  	v26 =	vld.idx.msk [tilespmem:v24+s11+$0x0], $0xffff;
	_ =	sdelay $0x1  }
0x50: {  	v9 =	vld.idx.msk [tilespmem:v25+s11+$0x0], $0xffff;
	_ =	sdelay $0x2  }
0x51: {  	v8 =	vmul.f32 v8, v1;
	v10 =	vmul.f32 v26, v2  }
0x52: {  	v27 =	vor.u32 $0x180, v7  }
0x53: {  	v28 =	vor.u32 $0x200, v4;
	v9 =	vmul.f32 v9, v3;
	v8 =	vadd.f32 v10, v8  }
0x54: {  	v29 =	vor.u32 $0x200, v5  }
0x55: {  	v8 =	vadd.f32 v9, v8  }
0x56: {  	v30 =	vor.u32 $0x200, v6  }
0x57: {  	[tilespmem:v27+s14+$0x0] =	vst.idx.add.f32.msk $0xffff, v8  }
0x58: {  	v8 =	vld.idx.msk [tilespmem:v28+s11+$0x0], $0xffff  }
0x59: {  	v31 =	vld.idx.msk [tilespmem:v29+s11+$0x0], $0xffff;
	_ =	sdelay $0x1  }
0x5a: {  	v9 =	vld.idx.msk [tilespmem:v30+s11+$0x0], $0xffff;
	_ =	sdelay $0x2  }
0x5b: {  	v8 =	vmul.f32 v8, v1;
	v10 =	vmul.f32 v31, v2  }
0x5c: {  	v32 =	vor.u32 $0x200, v7  }
0x5d: {  	v33 =	vor.u32 $0x280, v4;
	v9 =	vmul.f32 v9, v3;
	v8 =	vadd.f32 v10, v8  }
0x5e: {  	v34 =	vor.u32 $0x280, v5  }
0x5f: {  	v8 =	vadd.f32 v9, v8  }
0x60: {  	v35 =	vor.u32 $0x280, v6  }
0x61: {  	[tilespmem:v32+s14+$0x0] =	vst.idx.add.f32.msk $0xffff, v8  }
0x62: {  	v8 =	vld.idx.msk [tilespmem:v33+s11+$0x0], $0xffff  }
0x63: {  	v36 =	vld.idx.msk [tilespmem:v34+s11+$0x0], $0xffff;
	_ =	sdelay $0x1  }
0x64: {  	v9 =	vld.idx.msk [tilespmem:v35+s11+$0x0], $0xffff;
	_ =	sdelay $0x2  }
0x65: {  	v8 =	vmul.f32 v8, v1;
	v10 =	vmul.f32 v36, v2  }
0x66: {  	v37 =	vor.u32 $0x280, v7  }
0x67: {  	v38 =	vor.u32 $0x300, v4;
	v9 =	vmul.f32 v9, v3;
	v8 =	vadd.f32 v10, v8  }
0x68: {  	v39 =	vor.u32 $0x300, v5  }
0x69: {  	v8 =	vadd.f32 v9, v8  }
0x6a: {  	v40 =	vor.u32 $0x300, v6  }
0x6b: {  	[tilespmem:v37+s14+$0x0] =	vst.idx.add.f32.msk $0xffff, v8  }
0x6c: {  	v8 =	vld.idx.msk [tilespmem:v38+s11+$0x0], $0xffff  }
0x6d: {  	v41 =	vld.idx.msk [tilespmem:v39+s11+$0x0], $0xffff;
	_ =	sdelay $0x1  }
0x6e: {  	v9 =	vld.idx.msk [tilespmem:v40+s11+$0x0], $0xffff;
	_ =	sdelay $0x2  }
0x6f: {  	v8 =	vmul.f32 v8, v1;
	v10 =	vmul.f32 v41, v2  }
0x70: {  	v42 =	vor.u32 $0x300, v7  }
0x71: {  	v43 =	vor.u32 $0x380, v4;
	v9 =	vmul.f32 v9, v3;
	v8 =	vadd.f32 v10, v8  }
0x72: {  	v44 =	vor.u32 $0x380, v5  }
0x73: {  	v8 =	vadd.f32 v9, v8  }
0x74: {  	v45 =	vor.u32 $0x380, v6  }
0x75: {  	[tilespmem:v42+s14+$0x0] =	vst.idx.add.f32.msk $0xffff, v8  }
0x76: {  	v8 =	vld.idx.msk [tilespmem:v43+s11+$0x0], $0xffff  }
0x77: {  	v46 =	vld.idx.msk [tilespmem:v44+s11+$0x0], $0xffff;
	_ =	sdelay $0x1  }
0x78: {  	v9 =	vld.idx.msk [tilespmem:v45+s11+$0x0], $0xffff;
	_ =	sdelay $0x2  }
0x79: {  	v47 =	vmul.f32 v8, v1;
	v10 =	vmul.f32 v46, v2;
	v8 =	vor.u32 v11, v12  }
0x7a: {  	v11 =	vor.u32 $0x380, v8  }
0x7b: {  	v48 =	vadd.s32 $0x4000, v4;
	v9 =	vmul.f32 v9, v3;
	v10 =	vadd.f32 v10, v47  }
0x7c: {  	v49 =	vadd.s32 $0x4000, v5  }
0x7d: {  	v9 =	vadd.f32 v9, v10  }
0x7e: {  	v50 =	vadd.s32 $0x4000, v6  }
0x7f: {  	[tilespmem:v11+s14+$0x0] =	vst.idx.add.f32.msk $0xffff, v9  }
0x80: {  	v9 =	vld.idx.msk [tilespmem:v48+s11+$0x0], $0xffff  }
0x81: {  	v11 =	vld.idx.msk [tilespmem:v49+s11+$0x0], $0xffff;
	_ =	sdelay $0x1  }
0x82: {  	v10 =	vld.idx.msk [tilespmem:v50+s11+$0x0], $0xffff;
	_ =	sdelay $0x2  }
0x83: {  	v9 =	vmul.f32 v9, v1;
	v11 =	vmul.f32 v11, v2  }
0x84: {  	v51 =	vor.u32 $0x2000, v7  }
0x85: {  	v52 =	vadd.s32 $0x4080, v4;
	v10 =	vmul.f32 v10, v3;
	v9 =	vadd.f32 v11, v9  }
0x86: {  	v53 =	vadd.s32 $0x4080, v5  }
0x87: {  	v9 =	vadd.f32 v10, v9  }
0x88: {  	v54 =	vadd.s32 $0x4080, v6  }
0x89: {  	[tilespmem:v51+s14+$0x0] =	vst.idx.add.f32.msk $0xffff, v9  }
0x8a: {  	v9 =	vld.idx.msk [tilespmem:v52+s11+$0x0], $0xffff  }
0x8b: {  	v55 =	vld.idx.msk [tilespmem:v53+s11+$0x0], $0xffff;
	_ =	sdelay $0x1  }
0x8c: {  	v10 =	vld.idx.msk [tilespmem:v54+s11+$0x0], $0xffff;
	_ =	sdelay $0x2  }
0x8d: {  	v9 =	vmul.f32 v9, v1;
	v11 =	vmul.f32 v55, v2  }
0x8e: {  	v56 =	vor.u32 $0x2080, v7  }
0x8f: {  	v57 =	vadd.s32 $0x4100, v4;
	v10 =	vmul.f32 v10, v3;
	v9 =	vadd.f32 v11, v9  }
0x90: {  	v58 =	vadd.s32 $0x4100, v5  }
0x91: {  	v9 =	vadd.f32 v10, v9  }
0x92: {  	v59 =	vadd.s32 $0x4100, v6  }
0x93: {  	[tilespmem:v56+s14+$0x0] =	vst.idx.add.f32.msk $0xffff, v9  }
0x94: {  	v9 =	vld.idx.msk [tilespmem:v57+s11+$0x0], $0xffff  }
0x95: {  	v60 =	vld.idx.msk [tilespmem:v58+s11+$0x0], $0xffff;
	_ =	sdelay $0x1  }
0x96: {  	v10 =	vld.idx.msk [tilespmem:v59+s11+$0x0], $0xffff;
	_ =	sdelay $0x2  }
0x97: {  	v9 =	vmul.f32 v9, v1;
	v11 =	vmul.f32 v60, v2  }
0x98: {  	v61 =	vor.u32 $0x2100, v7  }
0x99: {  	v62 =	vadd.s32 $0x4180, v4;
	v10 =	vmul.f32 v10, v3;
	v9 =	vadd.f32 v11, v9  }
0x9a: {  	v63 =	vadd.s32 $0x4180, v5  }
0x9b: {  	v9 =	vadd.f32 v10, v9  }
0x9c: {  	v14 =	vadd.s32 $0x4180, v6  }
0x9d: {  	[tilespmem:v61+s14+$0x0] =	vst.idx.add.f32.msk $0xffff, v9  }
0x9e: {  	v9 =	vld.idx.msk [tilespmem:v62+s11+$0x0], $0xffff  }
0x9f: {  	v15 =	vld.idx.msk [tilespmem:v63+s11+$0x0], $0xffff;
	_ =	sdelay $0x1  }
0xa0: {  	v10 =	vld.idx.msk [tilespmem:v14+s11+$0x0], $0xffff;
	_ =	sdelay $0x2  }
0xa1: {  	v9 =	vmul.f32 v9, v1;
	v11 =	vmul.f32 v15, v2  }
0xa2: {  	v16 =	vor.u32 $0x2180, v7  }
0xa3: {  	v17 =	vadd.s32 $0x4200, v4;
	v10 =	vmul.f32 v10, v3;
	v9 =	vadd.f32 v11, v9  }
0xa4: {  	v18 =	vadd.s32 $0x4200, v5  }
0xa5: {  	v9 =	vadd.f32 v10, v9  }
0xa6: {  	v19 =	vadd.s32 $0x4200, v6  }
0xa7: {  	[tilespmem:v16+s14+$0x0] =	vst.idx.add.f32.msk $0xffff, v9  }
0xa8: {  	v9 =	vld.idx.msk [tilespmem:v17+s11+$0x0], $0xffff  }
0xa9: {  	v20 =	vld.idx.msk [tilespmem:v18+s11+$0x0], $0xffff;
	_ =	sdelay $0x1  }
0xaa: {  	v10 =	vld.idx.msk [tilespmem:v19+s11+$0x0], $0xffff;
	_ =	sdelay $0x2  }
0xab: {  	v9 =	vmul.f32 v9, v1;
	v11 =	vmul.f32 v20, v2  }
0xac: {  	v21 =	vor.u32 $0x2200, v7  }
0xad: {  	v22 =	vadd.s32 $0x4280, v4;
	v10 =	vmul.f32 v10, v3;
	v9 =	vadd.f32 v11, v9  }
0xae: {  	v23 =	vadd.s32 $0x4280, v5  }
0xaf: {  	v9 =	vadd.f32 v10, v9  }
0xb0: {  	v24 =	vadd.s32 $0x4280, v6  }
0xb1: {  	[tilespmem:v21+s14+$0x0] =	vst.idx.add.f32.msk $0xffff, v9  }
0xb2: {  	v9 =	vld.idx.msk [tilespmem:v22+s11+$0x0], $0xffff  }
0xb3: {  	v25 =	vld.idx.msk [tilespmem:v23+s11+$0x0], $0xffff;
	_ =	sdelay $0x1  }
0xb4: {  	v10 =	vld.idx.msk [tilespmem:v24+s11+$0x0], $0xffff;
	_ =	sdelay $0x2  }
0xb5: {  	v9 =	vmul.f32 v9, v1;
	v11 =	vmul.f32 v25, v2  }
0xb6: {  	v26 =	vor.u32 $0x2280, v7  }
0xb7: {  	v27 =	vadd.s32 $0x4300, v4;
	v10 =	vmul.f32 v10, v3;
	v9 =	vadd.f32 v11, v9  }
0xb8: {  	v28 =	vadd.s32 $0x4300, v5  }
0xb9: {  	v9 =	vadd.f32 v10, v9  }
0xba: {  	v29 =	vadd.s32 $0x4300, v6  }
0xbb: {  	[tilespmem:v26+s14+$0x0] =	vst.idx.add.f32.msk $0xffff, v9  }
0xbc: {  	v9 =	vld.idx.msk [tilespmem:v27+s11+$0x0], $0xffff  }
0xbd: {  	v30 =	vld.idx.msk [tilespmem:v28+s11+$0x0], $0xffff;
	_ =	sdelay $0x1  }
0xbe: {  	v10 =	vld.idx.msk [tilespmem:v29+s11+$0x0], $0xffff;
	_ =	sdelay $0x2  }
0xbf: {  	v9 =	vmul.f32 v9, v1;
	v11 =	vmul.f32 v30, v2  }
0xc0: {  	v31 =	vor.u32 $0x2300, v7  }
0xc1: {  	v32 =	vadd.s32 $0x4380, v4;
	v10 =	vmul.f32 v10, v3;
	v9 =	vadd.f32 v11, v9  }
0xc2: {  	v33 =	vadd.s32 $0x4380, v5  }
0xc3: {  	v9 =	vadd.f32 v10, v9  }
0xc4: {  	v34 =	vadd.s32 $0x4380, v6  }
0xc5: {  	[tilespmem:v31+s14+$0x0] =	vst.idx.add.f32.msk $0xffff, v9  }
0xc6: {  	v9 =	vld.idx.msk [tilespmem:v32+s11+$0x0], $0xffff  }
0xc7: {  	v35 =	vld.idx.msk [tilespmem:v33+s11+$0x0], $0xffff;
	_ =	sdelay $0x1  }
0xc8: {  	v10 =	vld.idx.msk [tilespmem:v34+s11+$0x0], $0xffff;
	_ =	sdelay $0x2  }
0xc9: {  	v9 =	vmul.f32 v9, v1;
	v11 =	vmul.f32 v35, v2  }
0xca: {  	v36 =	vor.u32 $0x2380, v8  }
0xcb: {  	v37 =	vadd.s32 $0x8000, v4;
	v10 =	vmul.f32 v10, v3;
	v9 =	vadd.f32 v11, v9  }
0xcc: {  	v38 =	vadd.s32 $0x8000, v5  }
0xcd: {  	v9 =	vadd.f32 v10, v9  }
0xce: {  	v39 =	vadd.s32 $0x8000, v6  }
0xcf: {  	[tilespmem:v36+s14+$0x0] =	vst.idx.add.f32.msk $0xffff, v9  }
0xd0: {  	v9 =	vld.idx.msk [tilespmem:v37+s11+$0x0], $0xffff  }
0xd1: {  	v40 =	vld.idx.msk [tilespmem:v38+s11+$0x0], $0xffff;
	_ =	sdelay $0x1  }
0xd2: {  	v10 =	vld.idx.msk [tilespmem:v39+s11+$0x0], $0xffff;
	_ =	sdelay $0x2  }
0xd3: {  	v9 =	vmul.f32 v9, v1;
	v11 =	vmul.f32 v40, v2  }
0xd4: {  	v41 =	vor.u32 $0x4000, v7  }
0xd5: {  	v42 =	vadd.s32 $0x8080, v4;
	v10 =	vmul.f32 v10, v3;
	v9 =	vadd.f32 v11, v9  }
0xd6: {  	v43 =	vadd.s32 $0x8080, v5  }
0xd7: {  	v9 =	vadd.f32 v10, v9  }
0xd8: {  	v44 =	vadd.s32 $0x8080, v6  }
0xd9: {  	[tilespmem:v41+s14+$0x0] =	vst.idx.add.f32.msk $0xffff, v9  }
0xda: {  	v9 =	vld.idx.msk [tilespmem:v42+s11+$0x0], $0xffff  }
0xdb: {  	v45 =	vld.idx.msk [tilespmem:v43+s11+$0x0], $0xffff;
	_ =	sdelay $0x1  }
0xdc: {  	v10 =	vld.idx.msk [tilespmem:v44+s11+$0x0], $0xffff;
	_ =	sdelay $0x2  }
0xdd: {  	v9 =	vmul.f32 v9, v1;
	v11 =	vmul.f32 v45, v2  }
0xde: {  	v46 =	vor.u32 $0x4080, v7  }
0xdf: {  	v47 =	vadd.s32 $0x8100, v4;
	v10 =	vmul.f32 v10, v3;
	v9 =	vadd.f32 v11, v9  }
0xe0: {  	v48 =	vadd.s32 $0x8100, v5  }
0xe1: {  	v9 =	vadd.f32 v10, v9  }
0xe2: {  	v49 =	vadd.s32 $0x8100, v6  }
0xe3: {  	[tilespmem:v46+s14+$0x0] =	vst.idx.add.f32.msk $0xffff, v9  }
0xe4: {  	v9 =	vld.idx.msk [tilespmem:v47+s11+$0x0], $0xffff  }
0xe5: {  	v50 =	vld.idx.msk [tilespmem:v48+s11+$0x0], $0xffff;
	_ =	sdelay $0x1  }
0xe6: {  	v10 =	vld.idx.msk [tilespmem:v49+s11+$0x0], $0xffff;
	_ =	sdelay $0x2  }
0xe7: {  	v9 =	vmul.f32 v9, v1;
	v11 =	vmul.f32 v50, v2  }
0xe8: {  	v51 =	vor.u32 $0x4100, v7  }
0xe9: {  	v52 =	vadd.s32 $0x8180, v4;
	v10 =	vmul.f32 v10, v3;
	v9 =	vadd.f32 v11, v9  }
0xea: {  	v53 =	vadd.s32 $0x8180, v5  }
0xeb: {  	v9 =	vadd.f32 v10, v9  }
0xec: {  	v54 =	vadd.s32 $0x8180, v6  }
0xed: {  	[tilespmem:v51+s14+$0x0] =	vst.idx.add.f32.msk $0xffff, v9  }
0xee: {  	v9 =	vld.idx.msk [tilespmem:v52+s11+$0x0], $0xffff  }
0xef: {  	v55 =	vld.idx.msk [tilespmem:v53+s11+$0x0], $0xffff;
	_ =	sdelay $0x1  }
0xf0: {  	v10 =	vld.idx.msk [tilespmem:v54+s11+$0x0], $0xffff;
	_ =	sdelay $0x2  }
0xf1: {  	v9 =	vmul.f32 v9, v1;
	v11 =	vmul.f32 v55, v2  }
0xf2: {  	v56 =	vor.u32 $0x4180, v7  }
0xf3: {  	v57 =	vadd.s32 $0x8200, v4;
	v10 =	vmul.f32 v10, v3;
	v9 =	vadd.f32 v11, v9  }
0xf4: {  	v58 =	vadd.s32 $0x8200, v5  }
0xf5: {  	v9 =	vadd.f32 v10, v9  }
0xf6: {  	v59 =	vadd.s32 $0x8200, v6  }
0xf7: {  	[tilespmem:v56+s14+$0x0] =	vst.idx.add.f32.msk $0xffff, v9  }
0xf8: {  	v9 =	vld.idx.msk [tilespmem:v57+s11+$0x0], $0xffff  }
0xf9: {  	v60 =	vld.idx.msk [tilespmem:v58+s11+$0x0], $0xffff;
	_ =	sdelay $0x1  }
0xfa: {  	v10 =	vld.idx.msk [tilespmem:v59+s11+$0x0], $0xffff;
	_ =	sdelay $0x2  }
0xfb: {  	v9 =	vmul.f32 v9, v1;
	v11 =	vmul.f32 v60, v2  }
0xfc: {  	v61 =	vor.u32 $0x4200, v7  }
0xfd: {  	v62 =	vadd.s32 $0x8280, v4;
	v10 =	vmul.f32 v10, v3;
	v9 =	vadd.f32 v11, v9  }
0xfe: {  	v63 =	vadd.s32 $0x8280, v5  }
0xff: {  	v9 =	vadd.f32 v10, v9  }
0x100: {  	v16 =	vadd.s32 $0x8280, v6  }
0x101: {  	[tilespmem:v61+s14+$0x0] =	vst.idx.add.f32.msk $0xffff, v9  }
0x102: {  	v9 =	vld.idx.msk [tilespmem:v62+s11+$0x0], $0xffff  }
0x103: {  	v17 =	vld.idx.msk [tilespmem:v63+s11+$0x0], $0xffff;
	_ =	sdelay $0x1  }
0x104: {  	v10 =	vld.idx.msk [tilespmem:v16+s11+$0x0], $0xffff;
	_ =	sdelay $0x2  }
0x105: {  	v9 =	vmul.f32 v9, v1;
	v11 =	vmul.f32 v17, v2  }
0x106: {  	v18 =	vor.u32 $0x4280, v7  }
0x107: {  	v19 =	vadd.s32 $0x8300, v4;
	v10 =	vmul.f32 v10, v3;
	v9 =	vadd.f32 v11, v9  }
0x108: {  	v20 =	vadd.s32 $0x8300, v5  }
0x109: {  	v9 =	vadd.f32 v10, v9  }
0x10a: {  	v21 =	vadd.s32 $0x8300, v6  }
0x10b: {  	[tilespmem:v18+s14+$0x0] =	vst.idx.add.f32.msk $0xffff, v9  }
0x10c: {  	v9 =	vld.idx.msk [tilespmem:v19+s11+$0x0], $0xffff  }
0x10d: {  	v22 =	vld.idx.msk [tilespmem:v20+s11+$0x0], $0xffff;
	_ =	sdelay $0x1  }
0x10e: {  	v10 =	vld.idx.msk [tilespmem:v21+s11+$0x0], $0xffff;
	_ =	sdelay $0x2  }
0x10f: {  	v9 =	vmul.f32 v9, v1;
	v11 =	vmul.f32 v22, v2  }
0x110: {  	v23 =	vor.u32 $0x4300, v7  }
0x111: {  	v24 =	vadd.s32 $0x8380, v4;
	v10 =	vmul.f32 v10, v3;
	v9 =	vadd.f32 v11, v9  }
0x112: {  	v25 =	vadd.s32 $0x8380, v5  }
0x113: {  	v9 =	vadd.f32 v10, v9  }
0x114: {  	v26 =	vadd.s32 $0x8380, v6  }
0x115: {  	[tilespmem:v23+s14+$0x0] =	vst.idx.add.f32.msk $0xffff, v9  }
0x116: {  	v9 =	vld.idx.msk [tilespmem:v24+s11+$0x0], $0xffff  }
0x117: {  	v27 =	vld.idx.msk [tilespmem:v25+s11+$0x0], $0xffff;
	_ =	sdelay $0x1  }
0x118: {  	v10 =	vld.idx.msk [tilespmem:v26+s11+$0x0], $0xffff;
	_ =	sdelay $0x2  }
0x119: {  	v9 =	vmul.f32 v9, v1;
	v11 =	vmul.f32 v27, v2  }
0x11a: {  	v28 =	vor.u32 $0x4380, v8  }
0x11b: {  	v29 =	vadd.s32 $0xC000, v4;
	v10 =	vmul.f32 v10, v3;
	v9 =	vadd.f32 v11, v9  }
0x11c: {  	v30 =	vadd.s32 $0xC000, v5  }
0x11d: {  	v9 =	vadd.f32 v10, v9  }
0x11e: {  	v31 =	vadd.s32 $0xC000, v6  }
0x11f: {  	[tilespmem:v28+s14+$0x0] =	vst.idx.add.f32.msk $0xffff, v9  }
0x120: {  	v9 =	vld.idx.msk [tilespmem:v29+s11+$0x0], $0xffff  }
0x121: {  	v32 =	vld.idx.msk [tilespmem:v30+s11+$0x0], $0xffff;
	_ =	sdelay $0x1  }
0x122: {  	v10 =	vld.idx.msk [tilespmem:v31+s11+$0x0], $0xffff;
	_ =	sdelay $0x2  }
0x123: {  	v9 =	vmul.f32 v9, v1;
	v11 =	vmul.f32 v32, v2  }
0x124: {  	v33 =	vor.u32 $0x6000, v7  }
0x125: {  	v34 =	vadd.s32 $0xC080, v4;
	v10 =	vmul.f32 v10, v3;
	v9 =	vadd.f32 v11, v9  }
0x126: {  	v35 =	vadd.s32 $0xC080, v5  }
0x127: {  	v9 =	vadd.f32 v10, v9  }
0x128: {  	v36 =	vadd.s32 $0xC080, v6  }
0x129: {  	[tilespmem:v33+s14+$0x0] =	vst.idx.add.f32.msk $0xffff, v9  }
0x12a: {  	v9 =	vld.idx.msk [tilespmem:v34+s11+$0x0], $0xffff  }
0x12b: {  	v37 =	vld.idx.msk [tilespmem:v35+s11+$0x0], $0xffff;
	_ =	sdelay $0x1  }
0x12c: {  	v10 =	vld.idx.msk [tilespmem:v36+s11+$0x0], $0xffff;
	_ =	sdelay $0x2  }
0x12d: {  	v9 =	vmul.f32 v9, v1;
	v11 =	vmul.f32 v37, v2  }
0x12e: {  	v38 =	vor.u32 $0x6080, v7  }
0x12f: {  	v39 =	vadd.s32 $0xC100, v4;
	v10 =	vmul.f32 v10, v3;
	v9 =	vadd.f32 v11, v9  }
0x130: {  	v40 =	vadd.s32 $0xC100, v5  }
0x131: {  	v9 =	vadd.f32 v10, v9  }
0x132: {  	v41 =	vadd.s32 $0xC100, v6  }
0x133: {  	[tilespmem:v38+s14+$0x0] =	vst.idx.add.f32.msk $0xffff, v9  }
0x134: {  	v9 =	vld.idx.msk [tilespmem:v39+s11+$0x0], $0xffff  }
0x135: {  	v42 =	vld.idx.msk [tilespmem:v40+s11+$0x0], $0xffff;
	_ =	sdelay $0x1  }
0x136: {  	v10 =	vld.idx.msk [tilespmem:v41+s11+$0x0], $0xffff;
	_ =	sdelay $0x2  }
0x137: {  	v9 =	vmul.f32 v9, v1;
	v11 =	vmul.f32 v42, v2  }
0x138: {  	v43 =	vor.u32 $0x6100, v7  }
0x139: {  	v44 =	vadd.s32 $0xC180, v4;
	v10 =	vmul.f32 v10, v3;
	v9 =	vadd.f32 v11, v9  }
0x13a: {  	v45 =	vadd.s32 $0xC180, v5  }
0x13b: {  	v9 =	vadd.f32 v10, v9  }
0x13c: {  	v46 =	vadd.s32 $0xC180, v6  }
0x13d: {  	[tilespmem:v43+s14+$0x0] =	vst.idx.add.f32.msk $0xffff, v9  }
0x13e: {  	v9 =	vld.idx.msk [tilespmem:v44+s11+$0x0], $0xffff  }
0x13f: {  	v47 =	vld.idx.msk [tilespmem:v45+s11+$0x0], $0xffff;
	_ =	sdelay $0x1  }
0x140: {  	v10 =	vld.idx.msk [tilespmem:v46+s11+$0x0], $0xffff;
	_ =	sdelay $0x2  }
0x141: {  	v9 =	vmul.f32 v9, v1;
	v11 =	vmul.f32 v47, v2  }
0x142: {  	v48 =	vor.u32 $0x6180, v7  }
0x143: {  	v49 =	vadd.s32 $0xC200, v4;
	v10 =	vmul.f32 v10, v3;
	v9 =	vadd.f32 v11, v9  }
0x144: {  	v50 =	vadd.s32 $0xC200, v5  }
0x145: {  	v9 =	vadd.f32 v10, v9  }
0x146: {  	v51 =	vadd.s32 $0xC200, v6  }
0x147: {  	[tilespmem:v48+s14+$0x0] =	vst.idx.add.f32.msk $0xffff, v9  }
0x148: {  	v9 =	vld.idx.msk [tilespmem:v49+s11+$0x0], $0xffff  }
0x149: {  	v52 =	vld.idx.msk [tilespmem:v50+s11+$0x0], $0xffff;
	_ =	sdelay $0x1  }
0x14a: {  	v10 =	vld.idx.msk [tilespmem:v51+s11+$0x0], $0xffff;
	_ =	sdelay $0x2  }
0x14b: {  	v9 =	vmul.f32 v9, v1;
	v11 =	vmul.f32 v52, v2  }
0x14c: {  	v53 =	vor.u32 $0x6200, v7  }
0x14d: {  	v54 =	vadd.s32 $0xC280, v4;
	v10 =	vmul.f32 v10, v3;
	v9 =	vadd.f32 v11, v9  }
0x14e: {  	v55 =	vadd.s32 $0xC280, v5  }
0x14f: {  	v9 =	vadd.f32 v10, v9  }
0x150: {  	v56 =	vadd.s32 $0xC280, v6  }
0x151: {  	[tilespmem:v53+s14+$0x0] =	vst.idx.add.f32.msk $0xffff, v9  }
0x152: {  	v9 =	vld.idx.msk [tilespmem:v54+s11+$0x0], $0xffff  }
0x153: {  	v57 =	vld.idx.msk [tilespmem:v55+s11+$0x0], $0xffff;
	_ =	sdelay $0x1  }
0x154: {  	v10 =	vld.idx.msk [tilespmem:v56+s11+$0x0], $0xffff;
	_ =	sdelay $0x2  }
0x155: {  	v9 =	vmul.f32 v9, v1;
	v11 =	vmul.f32 v57, v2  }
0x156: {  	v58 =	vor.u32 $0x6280, v7  }
0x157: {  	v59 =	vadd.s32 $0xC300, v4;
	v10 =	vmul.f32 v10, v3;
	v9 =	vadd.f32 v11, v9  }
0x158: {  	v60 =	vadd.s32 $0xC300, v5  }
0x159: {  	v9 =	vadd.f32 v10, v9  }
0x15a: {  	v61 =	vadd.s32 $0xC300, v6  }
0x15b: {  	[tilespmem:v58+s14+$0x0] =	vst.idx.add.f32.msk $0xffff, v9  }
0x15c: {  	v9 =	vld.idx.msk [tilespmem:v59+s11+$0x0], $0xffff  }
0x15d: {  	v62 =	vld.idx.msk [tilespmem:v60+s11+$0x0], $0xffff;
	_ =	sdelay $0x1  }
0x15e: {  	v10 =	vld.idx.msk [tilespmem:v61+s11+$0x0], $0xffff;
	_ =	sdelay $0x2  }
0x15f: {  	v9 =	vmul.f32 v9, v1;
	v11 =	vmul.f32 v62, v2  }
0x160: {  	v7 =	vor.u32 $0x6300, v7  }
0x161: {  	v4 =	vadd.s32 $0xC380, v4;
	v10 =	vmul.f32 v10, v3;
	v9 =	vadd.f32 v11, v9  }
0x162: {  	v5 =	vadd.s32 $0xC380, v5  }
0x163: {  	v9 =	vadd.f32 v10, v9  }
0x164: {  	v6 =	vadd.s32 $0xC380, v6  }
0x165: {  	[tilespmem:v7+s14+$0x0] =	vst.idx.add.f32.msk $0xffff, v9  }
0x166: {  	v4 =	vld.idx.msk [tilespmem:v4+s11+$0x0], $0xffff  }
0x167: {  	v5 =	vld.idx.msk [tilespmem:v5+s11+$0x0], $0xffff;
	_ =	sdelay $0x1  }
0x168: {  	v6 =	vld.idx.msk [tilespmem:v6+s11+$0x0], $0xffff;
	_ =	sdelay $0x2  }
0x169: {  	v1 =	vmul.f32 v4, v1;
	v2 =	vmul.f32 v5, v2  }
0x16a: {  	p0 =	sne.s32 s16, $0x3F0;
	v63 =	vor.u32 $0x6380, v8  }
.Ltmp0:
0x16b: {  	v1 =	vadd.f32 v2, v1;
	v2 =	vmul.f32 v6, v3;
	(pc) =	sbr.rel @p0 .LBB2_2-.Ltmp0, $3  }
0x16c: {  	_ = 	snop  }
0x16d: {  	v1 =	vadd.f32 v2, v1;
	_ =	sdelay $0x1  }
0x16e: {  	s16 =	sadd.s32 $0x10, s16;
	[tilespmem:v63+s14+$0x0] =	vst.idx.add.f32.msk $0xffff, v1  }
0x16f: {  	s15 =	sadd.s32 $0x1, s15  }
0x170: {  	p0 =	sne.s32 s15, s8  }
.Ltmp1:
0x171: {  	_ = 	snop;
	(pc) =	sbr.rel @p0 .LBB2_1-.Ltmp1, $4  }
0x172: {  	[hbm4b:s7+s12] =	stream.strided.scatter [tilespmem:s14], [sflag:$0x1], $0x8000, s13, s12, $0x38;
	[tilespmem:$0x19800] =	vst v63  }
0x173: {  	_ =	swait.ge [sflag:s9], $0x8000  }
0x174: {  	[sflag:s9] =	ssyncset.done $0x0  }
0x175: {  	[sflag:s9] =	ssyncadd.s32 $0xFFFF8000  }
0x176: {  	_ =	sfence.sel $0x180000  }
0x177: {  	[bflag:$0x0] =	sbarrier.arrive $0xFFFF  }
0x178: {  	p0 =	sne.s32 s1, $0x0;
	_ =	strace $0x90000047  }
0x179: {  	s0 =	sadd.s32 @!p0 $0x100000, s0;
	[bflag:$0x2] =	sbarrier.arrive $0xFFFF  }
0x17a: {  	[sflag:s0] =	ssyncadd.tile.s32 @!p0 $0x1;
	_ =	shalt  }
.Lfunc_end2:
_tile_overlayer_lowered:
.L_overlay_start_2:
0x17b: {  	(tag) =	ssettag $0x2  }
0x17c: {  	s0 =	rddreg [dreg:$0x0];
	s2 =	stileid.u32  }
0x17d: {  	s1 =	rddreg [dreg:$0x1];
	p0 =	sne.s32 s2, $0x0  }
0x17e: {  	s3 =	rddreg [dreg:$0x2];
	[bflag:$0x3] =	sbarrier.arrive $0xFFFF;
	s2 =	simm.s32 @!p0 $0x1C01  }
0x17f: {  	[timem:s3], [sflag:s2] =	dma.local @!p0 [hbm:s0], s1  }
0x180: {  	s0 =	simm.s32 @!p0 $0x1  }
0x181: {  	_ =	swait.ge @!p0 [sflag:s0], s1  }
0x182: {  	s1 =	ssub.s32 @!p0 $0x0, s1;
	[sflag:s0] =	ssyncset.done @!p0 $0x0  }
0x183: {  	[sflag:s0] =	ssyncadd.s32 @!p0 s1  }
0x184: {  	[bflag:$0x3] =	sbarrier.arrive $0xFFFF  }
0x185: {  	_ =	shalt  }

</sc_bundles>
